<compile_context>
chip_gen: v7x
topology: tpu7x:2x2x1
jax: 0.10.2.dev20260603
libtpu: 0.0.44.dev20260713+nightly
codegen_flags: <defaults>
</compile_context>

<pallas_src>
import functools

import jax
import jax.numpy as jnp
from jax import lax
from jax.experimental import pallas as pl
from jax.experimental.pallas import tpu as pltpu
from jax.experimental.pallas import tpu_sc as plsc

N = 10000
D = 128
H = 128
V = 10000
E = 320000

NC = 2
NS = 16
NW = NC * NS
CH = 128
EPW = E // NW
NCH = -(-EPW // CH)
EPW_PAD = NCH * CH
NPAD = 10240
RPT = NPAD // NS
TRASH = N + 16

_STRIPES = []
_o = 0
while _o < RPT:
    _STRIPES.append((_o, min(CH, RPT - _o)))
    _o += min(CH, RPT - _o)


def _hamilton(kernel_w):
    r, i, j, k = jnp.split(kernel_w, 4, axis=1)
    r2 = jnp.concatenate([r, -i, -j, -k], axis=0)
    i2 = jnp.concatenate([i, r, -k, j], axis=0)
    j2 = jnp.concatenate([j, k, r, -i], axis=0)
    k2 = jnp.concatenate([k, -j, i, r], axis=0)
    return jnp.concatenate([r2, i2, j2, k2], axis=1)


_sc_mesh = plsc.VectorSubcoreMesh(core_axis_name="c", subcore_axis_name="s")


@functools.partial(
    pl.kernel,
    out_type=jax.ShapeDtypeStruct((NC, NPAD, H), jnp.float32),
    mesh=_sc_mesh,
    scratch_types=[
        pltpu.VMEM((CH,), jnp.int32),
        pltpu.VMEM((CH,), jnp.int32),
        pltpu.VMEM((CH, H), jnp.float32),
        pltpu.VMEM_SHARED((NPAD, H), jnp.float32),
        pltpu.SemaphoreType.DMA,
    ],
)
def _seg_sum(src_hbm, dst_hbm, sup_hbm, out_hbm, sidx, didx, rows, acc, gsem):
    c = lax.axis_index("c")
    s = lax.axis_index("s")
    w = c * NS + s

    def _zrow(r, carry):
        for q in range(H // 16):
            rows[r, pl.ds(q * 16, 16)] = jnp.zeros((16,), jnp.float32)
        return carry

    lax.fori_loop(0, CH, _zrow, 0)
    for off, sz in _STRIPES:
        pltpu.sync_copy(rows.at[pl.ds(0, sz)],
                        acc.at[pl.ds(s * RPT + off, sz)])
    plsc.subcore_barrier()

    def _chunk(i, carry):
        pltpu.sync_copy(src_hbm.at[w, i], sidx)
        pltpu.sync_copy(dst_hbm.at[w, i], didx)
        pltpu.async_copy(sup_hbm.at[sidx], rows, gsem).wait()
        pltpu.sync_copy(rows, acc.at[didx], add=True)
        return carry

    lax.fori_loop(0, NCH, _chunk, 0)
    plsc.subcore_barrier()

    for off, sz in _STRIPES:
        span = pl.ds(s * RPT + off, sz)
        pltpu.sync_copy(acc.at[span], rows.at[pl.ds(0, sz)])
        pltpu.sync_copy(rows.at[pl.ds(0, sz)], out_hbm.at[c, span])


def _mm_body(x_ref, w_ref, o_ref):
    o_ref[...] = jnp.dot(x_ref[...], w_ref[...],
                         preferred_element_type=jnp.float32)


def _support1(x, w):
    return pl.pallas_call(
        _mm_body,
        grid=(5,),
        in_specs=[pl.BlockSpec((2000, D), lambda i: (i, 0)),
                  pl.BlockSpec((D, H), lambda i: (0, 0))],
        out_specs=pl.BlockSpec((2000, H), lambda i: (i, 0)),
        out_shape=jax.ShapeDtypeStruct((N, H), jnp.float32),
    )(x, w)


def _l2_body(agg_ref, w_ref, h1_ref, s2_ref):
    h1 = jnp.tanh(agg_ref[0] + agg_ref[1])
    h1_ref[...] = h1.astype(jnp.bfloat16)
    s2_ref[...] = jnp.dot(h1, w_ref[...], preferred_element_type=jnp.float32)


def _layer2(aggp, w):
    return pl.pallas_call(
        _l2_body,
        grid=(5,),
        in_specs=[pl.BlockSpec((NC, 2000, H), lambda i: (0, i, 0)),
                  pl.BlockSpec((H, H), lambda i: (0, 0))],
        out_specs=[pl.BlockSpec((2000, H), lambda i: (i, 0))] * 2,
        out_shape=[jax.ShapeDtypeStruct((N, H), jnp.bfloat16),
                   jax.ShapeDtypeStruct((N, H), jnp.float32)],
    )(aggp, w)


BM = 512
BV = 2048


def _head_body(agg_ref, h1_ref, w1_ref, w2_ref, b_ref, o_ref):
    h2 = jnp.tanh(agg_ref[0] + agg_ref[1]).astype(jnp.bfloat16)
    dn = (((1,), (1,)), ((), ()))
    acc = lax.dot_general(h1_ref[...], w1_ref[...], dn,
                          preferred_element_type=jnp.float32)
    acc = acc + lax.dot_general(h2, w2_ref[...], dn,
                                preferred_element_type=jnp.float32)
    o_ref[...] = acc + b_ref[...]


def _head(aggp, h1, w1, w2, b):
    gm = -(-N // BM)
    gv = -(-V // BV)
    return pl.pallas_call(
        _head_body,
        grid=(gm, gv),
        in_specs=[
            pl.BlockSpec((NC, BM, H), lambda i, j: (0, i, 0)),
            pl.BlockSpec((BM, H), lambda i, j: (i, 0)),
            pl.BlockSpec((BV, H), lambda i, j: (j, 0)),
            pl.BlockSpec((BV, H), lambda i, j: (j, 0)),
            pl.BlockSpec((1, BV), lambda i, j: (0, j)),
        ],
        out_specs=pl.BlockSpec((BM, BV), lambda i, j: (i, j)),
        out_shape=jax.ShapeDtypeStruct((N, V), jnp.float32),
    )(aggp, h1, w1, w2, b)


def kernel(Adj_block, X_concat, idx_nodes, W1, W2, sm_weight, sm_bias):
    h1w = _hamilton(W1)
    h2w = _hamilton(W2)

    dst = Adj_block[0].reshape(NW, EPW)
    src = Adj_block[1].reshape(NW, EPW)
    pad = NCH * CH - EPW
    src3 = jnp.concatenate(
        [src, jnp.zeros((NW, pad), jnp.int32)], axis=1).reshape(NW, NCH, CH)
    dst3 = jnp.concatenate(
        [dst, jnp.full((NW, pad), TRASH, jnp.int32)], axis=1).reshape(NW, NCH, CH)
    sup1 = _support1(X_concat, h1w)
    aggp1 = _seg_sum(src3, dst3, sup1)
    h1, sup2 = _layer2(aggp1, h2w)
    aggp2 = _seg_sum(src3, dst3, sup2)
    w1bf = sm_weight[:, :H].astype(jnp.bfloat16)
    w2bf = sm_weight[:, H:].astype(jnp.bfloat16)
    return _head(aggp2, h1, w1bf, w2bf, sm_bias.reshape(1, V))

# --- scband reference (transcript-rebuilt; emitter-appended) ---
"""Pipeline reference for scband-un-sup-qgnn-4861902979539 (READ-ONLY COPY).

The authoritative reference and input builder live on the scoring server;
editing this copy changes nothing except your own understanding.
"""

import jax, jax.numpy as jnp
import numpy as np

N = 10000
E = 320000
D = 128
H = 128
L = 2
V = 10000

def make_quaternion_mul(kernel):
    # kernel: [in_features//4, out_features]; builds [in_features, out_features] Hamilton matrix
    r, i, j, k = jnp.split(kernel, 4, axis=1)
    r2 = jnp.concatenate([r, -i, -j, -k], axis=0)
    i2 = jnp.concatenate([i, r, -k, j], axis=0)
    j2 = jnp.concatenate([j, k, r, -i], axis=0)
    k2 = jnp.concatenate([k, -j, i, r], axis=0)
    return jnp.concatenate([r2, i2, j2, k2], axis=1)

def setup_inputs(seed: int = 0):
    key = jax.random.key(seed)
    k1, k2, k3, k4, k5, k6 = jax.random.split(key, 6)
    X_concat = jax.random.normal(k1, (N, D), dtype=jnp.float32)
    Adj_block = jax.random.randint(k2, (2, E), 0, N, dtype=jnp.int32)
    idx_nodes = jax.random.randint(k3, (N,), 0, V, dtype=jnp.int32)
    s1 = float(np.sqrt(2.0 / (D + H)))
    s2 = float(np.sqrt(2.0 / (H + H)))
    s3 = float(np.sqrt(2.0 / (L * H + V)))
    W1 = jax.random.normal(k4, (D // 4, H), dtype=jnp.float32) * s1
    W2 = jax.random.normal(k5, (H // 4, H), dtype=jnp.float32) * s2
    sm_weight = jax.random.normal(k6, (V, L * H), dtype=jnp.float32) * s3
    sm_bias = jnp.zeros((V,), dtype=jnp.float32)
    return {"Adj_block": Adj_block, "X_concat": X_concat, "idx_nodes": idx_nodes,
            "W1": W1, "W2": W2, "sm_weight": sm_weight, "sm_bias": sm_bias}

def reference(Adj_block, X_concat, idx_nodes, W1, W2, sm_weight, sm_bias):
    # Q4GNN stack: per layer, quaternion linear (x @ hamilton) then sparse
    # adjacency aggregation (spmm -> scatter-add over edges), tanh activation.
    # Dropout is identity (eval mode). Adj_block given as COO edge list:
    # row 0 = dst, row 1 = src, implicit weight 1.0.
    dst = Adj_block[0]
    src = Adj_block[1]
    outs = []
    h = X_concat
    for W in (W1, W2):
        hamilton = make_quaternion_mul(W)
        support = h @ hamilton
        agg = jax.ops.segment_sum(jnp.take(support, src, axis=0), dst, num_segments=N)
        h = jnp.tanh(agg)
        outs.append(h)
    vec = jnp.concatenate(outs, axis=1)
    # SampledSoftmax full (eval) path: logits over full vocab; idx_nodes are
    # the labels, consumed by the loss outside this module.
    logits = vec @ sm_weight.T + sm_bias
    return logits

if __name__ == "__main__":
    import jax
    _d = setup_inputs()
    print(jax.jit(kernel)(*tuple(_d.values())))

</pallas_src>

<mosaic_0001>
#map = affine_map<(d0, d1) -> (0, 0, 0)>
#map1 = affine_map<(d0, d1) -> (0, 0)>
module attributes {stable_mosaic.version = 14 : i64} {
  func.func @_seg_sum(%arg0: i32, %arg1: i32, %arg2: memref<32x79x128xi32, #tpu.memory_space<hbm>>, %arg3: memref<32x79x128xi32, #tpu.memory_space<hbm>>, %arg4: memref<10000x128xf32, #tpu.memory_space<hbm>>, %arg5: memref<2x10240x128xf32, #tpu.memory_space<hbm>>, %arg6: memref<128xi32, #tpu.memory_space<vmem>>, %arg7: memref<128xi32, #tpu.memory_space<vmem>>, %arg8: memref<128x128xf32, #tpu.memory_space<vmem>>, %arg9: memref<10240x128xf32, #tpu.memory_space<vmem_shared>>, %arg10: memref<!tpu.dma_semaphore, #tpu.memory_space<semaphore_mem>>) attributes {dimension_semantics = [#tpu.dimension_semantics<core_parallel>, #tpu.dimension_semantics<subcore_parallel>], iteration_bounds = array<i64: 2, 16>, scalar_prefetch = 0 : i64, scratch_operands = 5 : i64, tpu.core_type = #tpu.core_type<sc_vector_subcore>, window_params = [{transform_indices = #map}, {transform_indices = #map}, {transform_indices = #map1}, {transform_indices = #map}]} {
    %mul3A = arith.constant 16 : i32
    %mul3A_0 = arith.muli %arg0, %mul3A : i32
    %add3A = arith.addi %mul3A_0, %arg1 : i32
    %scan3A = arith.constant 0 : i32
    %scan3A_1 = arith.constant 0 : i32
    %scan3A_2 = arith.constant 128 : i32
    %scan3A_3 = arith.addi %scan3A_1, %scan3A_2 : i32
    %scan3A_4 = arith.constant 1 : i32
    scf.for %scan3A_53 = %scan3A_1 to %scan3A_3 step %scan3A_4  : i32 {
      %broadcast_in_dim3A = arith.constant 0.000000e+00 : f32
      %broadcast_in_dim3A_54 = vector.broadcast %broadcast_in_dim3A : f32 to vector<16xf32>
      %swap3A = arith.index_cast %scan3A_53 : i32 to index
      %swap3A_55 = arith.constant 0 : index
      %swap3A_56 = tpu.vector_load %arg8[%swap3A, %swap3A_55] {strides = array<i32>} : memref<128x128xf32, #tpu.memory_space<vmem>>, vector<1x16xf32>,
      %swap3A_57 = vector.shape_cast %swap3A_56 : vector<1x16xf32> to vector<16xf32>
      %swap3A_58 = vector.shape_cast %broadcast_in_dim3A_54 : vector<16xf32> to vector<1x16xf32>
      tpu.vector_store %arg8[%swap3A, %swap3A_55], %swap3A_58 {strides = array<i32>} : memref<128x128xf32, #tpu.memory_space<vmem>>, vector<1x16xf32>,
      %broadcast_in_dim3A_59 = arith.constant 0.000000e+00 : f32
      %broadcast_in_dim3A_60 = vector.broadcast %broadcast_in_dim3A_59 : f32 to vector<16xf32>
      %swap3A_61 = arith.index_cast %scan3A_53 : i32 to index
      %swap3A_62 = arith.constant 16 : index
      %swap3A_63 = tpu.vector_load %arg8[%swap3A_61, %swap3A_62] {strides = array<i32>} : memref<128x128xf32, #tpu.memory_space<vmem>>, vector<1x16xf32>,
      %swap3A_64 = vector.shape_cast %swap3A_63 : vector<1x16xf32> to vector<16xf32>
      %swap3A_65 = vector.shape_cast %broadcast_in_dim3A_60 : vector<16xf32> to vector<1x16xf32>
      tpu.vector_store %arg8[%swap3A_61, %swap3A_62], %swap3A_65 {strides = array<i32>} : memref<128x128xf32, #tpu.memory_space<vmem>>, vector<1x16xf32>,
      %broadcast_in_dim3A_66 = arith.constant 0.000000e+00 : f32
      %broadcast_in_dim3A_67 = vector.broadcast %broadcast_in_dim3A_66 : f32 to vector<16xf32>
      %swap3A_68 = arith.index_cast %scan3A_53 : i32 to index
      %swap3A_69 = arith.constant 32 : index
      %swap3A_70 = tpu.vector_load %arg8[%swap3A_68, %swap3A_69] {strides = array<i32>} : memref<128x128xf32, #tpu.memory_space<vmem>>, vector<1x16xf32>,
      %swap3A_71 = vector.shape_cast %swap3A_70 : vector<1x16xf32> to vector<16xf32>
      %swap3A_72 = vector.shape_cast %broadcast_in_dim3A_67 : vector<16xf32> to vector<1x16xf32>
      tpu.vector_store %arg8[%swap3A_68, %swap3A_69], %swap3A_72 {strides = array<i32>} : memref<128x128xf32, #tpu.memory_space<vmem>>, vector<1x16xf32>,
      %broadcast_in_dim3A_73 = arith.constant 0.000000e+00 : f32
      %broadcast_in_dim3A_74 = vector.broadcast %broadcast_in_dim3A_73 : f32 to vector<16xf32>
      %swap3A_75 = arith.index_cast %scan3A_53 : i32 to index
      %swap3A_76 = arith.constant 48 : index
      %swap3A_77 = tpu.vector_load %arg8[%swap3A_75, %swap3A_76] {strides = array<i32>} : memref<128x128xf32, #tpu.memory_space<vmem>>, vector<1x16xf32>,
      %swap3A_78 = vector.shape_cast %swap3A_77 : vector<1x16xf32> to vector<16xf32>
      %swap3A_79 = vector.shape_cast %broadcast_in_dim3A_74 : vector<16xf32> to vector<1x16xf32>
      tpu.vector_store %arg8[%swap3A_75, %swap3A_76], %swap3A_79 {strides = array<i32>} : memref<128x128xf32, #tpu.memory_space<vmem>>, vector<1x16xf32>,
      %broadcast_in_dim3A_80 = arith.constant 0.000000e+00 : f32
      %broadcast_in_dim3A_81 = vector.broadcast %broadcast_in_dim3A_80 : f32 to vector<16xf32>
      %swap3A_82 = arith.index_cast %scan3A_53 : i32 to index
      %swap3A_83 = arith.constant 64 : index
      %swap3A_84 = tpu.vector_load %arg8[%swap3A_82, %swap3A_83] {strides = array<i32>} : memref<128x128xf32, #tpu.memory_space<vmem>>, vector<1x16xf32>,
      %swap3A_85 = vector.shape_cast %swap3A_84 : vector<1x16xf32> to vector<16xf32>
      %swap3A_86 = vector.shape_cast %broadcast_in_dim3A_81 : vector<16xf32> to vector<1x16xf32>
      tpu.vector_store %arg8[%swap3A_82, %swap3A_83], %swap3A_86 {strides = array<i32>} : memref<128x128xf32, #tpu.memory_space<vmem>>, vector<1x16xf32>,
      %broadcast_in_dim3A_87 = arith.constant 0.000000e+00 : f32
      %broadcast_in_dim3A_88 = vector.broadcast %broadcast_in_dim3A_87 : f32 to vector<16xf32>
      %swap3A_89 = arith.index_cast %scan3A_53 : i32 to index
      %swap3A_90 = arith.constant 80 : index
      %swap3A_91 = tpu.vector_load %arg8[%swap3A_89, %swap3A_90] {strides = array<i32>} : memref<128x128xf32, #tpu.memory_space<vmem>>, vector<1x16xf32>,
      %swap3A_92 = vector.shape_cast %swap3A_91 : vector<1x16xf32> to vector<16xf32>
      %swap3A_93 = vector.shape_cast %broadcast_in_dim3A_88 : vector<16xf32> to vector<1x16xf32>
      tpu.vector_store %arg8[%swap3A_89, %swap3A_90], %swap3A_93 {strides = array<i32>} : memref<128x128xf32, #tpu.memory_space<vmem>>, vector<1x16xf32>,
      %broadcast_in_dim3A_94 = arith.constant 0.000000e+00 : f32
      %broadcast_in_dim3A_95 = vector.broadcast %broadcast_in_dim3A_94 : f32 to vector<16xf32>
      %swap3A_96 = arith.index_cast %scan3A_53 : i32 to index
      %swap3A_97 = arith.constant 96 : index
      %swap3A_98 = tpu.vector_load %arg8[%swap3A_96, %swap3A_97] {strides = array<i32>} : memref<128x128xf32, #tpu.memory_space<vmem>>, vector<1x16xf32>,
      %swap3A_99 = vector.shape_cast %swap3A_98 : vector<1x16xf32> to vector<16xf32>
      %swap3A_100 = vector.shape_cast %broadcast_in_dim3A_95 : vector<16xf32> to vector<1x16xf32>
      tpu.vector_store %arg8[%swap3A_96, %swap3A_97], %swap3A_100 {strides = array<i32>} : memref<128x128xf32, #tpu.memory_space<vmem>>, vector<1x16xf32>,
      %broadcast_in_dim3A_101 = arith.constant 0.000000e+00 : f32
      %broadcast_in_dim3A_102 = vector.broadcast %broadcast_in_dim3A_101 : f32 to vector<16xf32>
      %swap3A_103 = arith.index_cast %scan3A_53 : i32 to index
      %swap3A_104 = arith.constant 112 : index
      %swap3A_105 = tpu.vector_load %arg8[%swap3A_103, %swap3A_104] {strides = array<i32>} : memref<128x128xf32, #tpu.memory_space<vmem>>, vector<1x16xf32>,
      %swap3A_106 = vector.shape_cast %swap3A_105 : vector<1x16xf32> to vector<16xf32>
      %swap3A_107 = vector.shape_cast %broadcast_in_dim3A_102 : vector<16xf32> to vector<1x16xf32>
      tpu.vector_store %arg8[%swap3A_103, %swap3A_104], %swap3A_107 {strides = array<i32>} : memref<128x128xf32, #tpu.memory_space<vmem>>, vector<1x16xf32>,
    }
    %scan3A_5 = arith.constant 128 : i32
    %mul3A_6 = arith.constant 640 : i32
    %mul3A_7 = arith.muli %arg1, %mul3A_6 : i32
    %add3A_8 = arith.constant 0 : i32
    %add3A_9 = arith.addi %mul3A_7, %add3A_8 : i32
    "tpu.region"() ({
      %run_scoped3A = tpu.sem_alloc : memref<!tpu.dma_semaphore, #tpu.memory_space<semaphore_mem>>
      %dma_start3A = arith.constant 0 : i32
      %dma_start3A_53 = arith.constant 0 : i32
      %dma_start3A_54 = tpu.memref_slice %arg8[%dma_start3A, %dma_start3A_53] : memref<128x128xf32, #tpu.memory_space<vmem>> -> memref<128x128xf32, #tpu.memory_space<vmem>>
      %dma_start3A_55 = arith.constant 0 : i32
      %dma_start3A_56 = tpu.memref_slice %arg9[%add3A_9, %dma_start3A_55] : memref<10240x128xf32, #tpu.memory_space<vmem_shared>> -> memref<128x128xf32, #tpu.memory_space<vmem_shared>>
      %dma_start3A_57 = arith.constant 0 : i32
      %dma_start3A_58 = tpu.memref_slice %arg9[%add3A_9, %dma_start3A_57] : memref<10240x128xf32, #tpu.memory_space<vmem_shared>> -> memref<128x128xf32, #tpu.memory_space<vmem_shared>>
      %dma_start3A_59 = arith.constant 0 : i32
      %dma_start3A_60 = arith.constant 0 : i32
      %dma_start3A_61 = tpu.memref_slice %arg8[%dma_start3A_59, %dma_start3A_60] : memref<128x128xf32, #tpu.memory_space<vmem>> -> memref<128x128xf32, #tpu.memory_space<vmem>>
      tpu.enqueue_dma source(%dma_start3A_61 : memref<128x128xf32, #tpu.memory_space<vmem>>) target(%dma_start3A_58 : memref<128x128xf32, #tpu.memory_space<vmem_shared>>) target_semaphore(%run_scoped3A : memref<!tpu.dma_semaphore, #tpu.memory_space<semaphore_mem>>)
      %dma_wait3A = arith.constant 0 : i32
      %dma_wait3A_62 = arith.constant 0 : i32
      %dma_wait3A_63 = tpu.memref_slice %arg8[%dma_wait3A, %dma_wait3A_62] : memref<128x128xf32, #tpu.memory_space<vmem>> -> memref<128x128xf32, #tpu.memory_space<vmem>>
      %dma_wait3A_64 = arith.constant 0 : i32
      %dma_wait3A_65 = tpu.memref_slice %arg9[%add3A_9, %dma_wait3A_64] : memref<10240x128xf32, #tpu.memory_space<vmem_shared>> -> memref<128x128xf32, #tpu.memory_space<vmem_shared>>
      %dma_wait3A_66 = arith.constant 0 : i32
      %dma_wait3A_67 = tpu.memref_slice %arg9[%add3A_9, %dma_wait3A_66] : memref<10240x128xf32, #tpu.memory_space<vmem_shared>> -> memref<128x128xf32, #tpu.memory_space<vmem_shared>>
      %dma_wait3A_68 = arith.constant 0 : i32
      %dma_wait3A_69 = arith.constant 0 : i32
      %dma_wait3A_70 = tpu.memref_slice %arg8[%dma_wait3A_68, %dma_wait3A_69] : memref<128x128xf32, #tpu.memory_space<vmem>> -> memref<128x128xf32, #tpu.memory_space<vmem>>
      tpu.wait_dma2 semaphore(%run_scoped3A : memref<!tpu.dma_semaphore, #tpu.memory_space<semaphore_mem>>) src(%dma_wait3A_70 : memref<128x128xf32, #tpu.memory_space<vmem>>) dst(%dma_wait3A_67 : memref<128x128xf32, #tpu.memory_space<vmem_shared>>)
      tpu.yield
    }) : () -> ()
    %mul3A_10 = arith.constant 640 : i32
    %mul3A_11 = arith.muli %arg1, %mul3A_10 : i32
    %add3A_12 = arith.constant 128 : i32
    %add3A_13 = arith.addi %mul3A_11, %add3A_12 : i32
    "tpu.region"() ({
      %run_scoped3A = tpu.sem_alloc : memref<!tpu.dma_semaphore, #tpu.memory_space<semaphore_mem>>
      %dma_start3A = arith.constant 0 : i32
      %dma_start3A_53 = arith.constant 0 : i32
      %dma_start3A_54 = tpu.memref_slice %arg8[%dma_start3A, %dma_start3A_53] : memref<128x128xf32, #tpu.memory_space<vmem>> -> memref<128x128xf32, #tpu.memory_space<vmem>>
      %dma_start3A_55 = arith.constant 0 : i32
      %dma_start3A_56 = tpu.memref_slice %arg9[%add3A_13, %dma_start3A_55] : memref<10240x128xf32, #tpu.memory_space<vmem_shared>> -> memref<128x128xf32, #tpu.memory_space<vmem_shared>>
      %dma_start3A_57 = arith.constant 0 : i32
      %dma_start3A_58 = tpu.memref_slice %arg9[%add3A_13, %dma_start3A_57] : memref<10240x128xf32, #tpu.memory_space<vmem_shared>> -> memref<128x128xf32, #tpu.memory_space<vmem_shared>>
      %dma_start3A_59 = arith.constant 0 : i32
      %dma_start3A_60 = arith.constant 0 : i32
      %dma_start3A_61 = tpu.memref_slice %arg8[%dma_start3A_59, %dma_start3A_60] : memref<128x128xf32, #tpu.memory_space<vmem>> -> memref<128x128xf32, #tpu.memory_space<vmem>>
      tpu.enqueue_dma source(%dma_start3A_61 : memref<128x128xf32, #tpu.memory_space<vmem>>) target(%dma_start3A_58 : memref<128x128xf32, #tpu.memory_space<vmem_shared>>) target_semaphore(%run_scoped3A : memref<!tpu.dma_semaphore, #tpu.memory_space<semaphore_mem>>)
      %dma_wait3A = arith.constant 0 : i32
      %dma_wait3A_62 = arith.constant 0 : i32
      %dma_wait3A_63 = tpu.memref_slice %arg8[%dma_wait3A, %dma_wait3A_62] : memref<128x128xf32, #tpu.memory_space<vmem>> -> memref<128x128xf32, #tpu.memory_space<vmem>>
      %dma_wait3A_64 = arith.constant 0 : i32
      %dma_wait3A_65 = tpu.memref_slice %arg9[%add3A_13, %dma_wait3A_64] : memref<10240x128xf32, #tpu.memory_space<vmem_shared>> -> memref<128x128xf32, #tpu.memory_space<vmem_shared>>
      %dma_wait3A_66 = arith.constant 0 : i32
      %dma_wait3A_67 = tpu.memref_slice %arg9[%add3A_13, %dma_wait3A_66] : memref<10240x128xf32, #tpu.memory_space<vmem_shared>> -> memref<128x128xf32, #tpu.memory_space<vmem_shared>>
      %dma_wait3A_68 = arith.constant 0 : i32
      %dma_wait3A_69 = arith.constant 0 : i32
      %dma_wait3A_70 = tpu.memref_slice %arg8[%dma_wait3A_68, %dma_wait3A_69] : memref<128x128xf32, #tpu.memory_space<vmem>> -> memref<128x128xf32, #tpu.memory_space<vmem>>
      tpu.wait_dma2 semaphore(%run_scoped3A : memref<!tpu.dma_semaphore, #tpu.memory_space<semaphore_mem>>) src(%dma_wait3A_70 : memref<128x128xf32, #tpu.memory_space<vmem>>) dst(%dma_wait3A_67 : memref<128x128xf32, #tpu.memory_space<vmem_shared>>)
      tpu.yield
    }) : () -> ()
    %mul3A_14 = arith.constant 640 : i32
    %mul3A_15 = arith.muli %arg1, %mul3A_14 : i32
    %add3A_16 = arith.constant 256 : i32
    %add3A_17 = arith.addi %mul3A_15, %add3A_16 : i32
    "tpu.region"() ({
      %run_scoped3A = tpu.sem_alloc : memref<!tpu.dma_semaphore, #tpu.memory_space<semaphore_mem>>
      %dma_start3A = arith.constant 0 : i32
      %dma_start3A_53 = arith.constant 0 : i32
      %dma_start3A_54 = tpu.memref_slice %arg8[%dma_start3A, %dma_start3A_53] : memref<128x128xf32, #tpu.memory_space<vmem>> -> memref<128x128xf32, #tpu.memory_space<vmem>>
      %dma_start3A_55 = arith.constant 0 : i32
      %dma_start3A_56 = tpu.memref_slice %arg9[%add3A_17, %dma_start3A_55] : memref<10240x128xf32, #tpu.memory_space<vmem_shared>> -> memref<128x128xf32, #tpu.memory_space<vmem_shared>>
      %dma_start3A_57 = arith.constant 0 : i32
      %dma_start3A_58 = tpu.memref_slice %arg9[%add3A_17, %dma_start3A_57] : memref<10240x128xf32, #tpu.memory_space<vmem_shared>> -> memref<128x128xf32, #tpu.memory_space<vmem_shared>>
      %dma_start3A_59 = arith.constant 0 : i32
      %dma_start3A_60 = arith.constant 0 : i32
      %dma_start3A_61 = tpu.memref_slice %arg8[%dma_start3A_59, %dma_start3A_60] : memref<128x128xf32, #tpu.memory_space<vmem>> -> memref<128x128xf32, #tpu.memory_space<vmem>>
      tpu.enqueue_dma source(%dma_start3A_61 : memref<128x128xf32, #tpu.memory_space<vmem>>) target(%dma_start3A_58 : memref<128x128xf32, #tpu.memory_space<vmem_shared>>) target_semaphore(%run_scoped3A : memref<!tpu.dma_semaphore, #tpu.memory_space<semaphore_mem>>)
      %dma_wait3A = arith.constant 0 : i32
      %dma_wait3A_62 = arith.constant 0 : i32
      %dma_wait3A_63 = tpu.memref_slice %arg8[%dma_wait3A, %dma_wait3A_62] : memref<128x128xf32, #tpu.memory_space<vmem>> -> memref<128x128xf32, #tpu.memory_space<vmem>>
      %dma_wait3A_64 = arith.constant 0 : i32
      %dma_wait3A_65 = tpu.memref_slice %arg9[%add3A_17, %dma_wait3A_64] : memref<10240x128xf32, #tpu.memory_space<vmem_shared>> -> memref<128x128xf32, #tpu.memory_space<vmem_shared>>
      %dma_wait3A_66 = arith.constant 0 : i32
      %dma_wait3A_67 = tpu.memref_slice %arg9[%add3A_17, %dma_wait3A_66] : memref<10240x128xf32, #tpu.memory_space<vmem_shared>> -> memref<128x128xf32, #tpu.memory_space<vmem_shared>>
      %dma_wait3A_68 = arith.constant 0 : i32
      %dma_wait3A_69 = arith.constant 0 : i32
      %dma_wait3A_70 = tpu.memref_slice %arg8[%dma_wait3A_68, %dma_wait3A_69] : memref<128x128xf32, #tpu.memory_space<vmem>> -> memref<128x128xf32, #tpu.memory_space<vmem>>
      tpu.wait_dma2 semaphore(%run_scoped3A : memref<!tpu.dma_semaphore, #tpu.memory_space<semaphore_mem>>) src(%dma_wait3A_70 : memref<128x128xf32, #tpu.memory_space<vmem>>) dst(%dma_wait3A_67 : memref<128x128xf32, #tpu.memory_space<vmem_shared>>)
      tpu.yield
    }) : () -> ()
    %mul3A_18 = arith.constant 640 : i32
    %mul3A_19 = arith.muli %arg1, %mul3A_18 : i32
    %add3A_20 = arith.constant 384 : i32
    %add3A_21 = arith.addi %mul3A_19, %add3A_20 : i32
    "tpu.region"() ({
      %run_scoped3A = tpu.sem_alloc : memref<!tpu.dma_semaphore, #tpu.memory_space<semaphore_mem>>
      %dma_start3A = arith.constant 0 : i32
      %dma_start3A_53 = arith.constant 0 : i32
      %dma_start3A_54 = tpu.memref_slice %arg8[%dma_start3A, %dma_start3A_53] : memref<128x128xf32, #tpu.memory_space<vmem>> -> memref<128x128xf32, #tpu.memory_space<vmem>>
      %dma_start3A_55 = arith.constant 0 : i32
      %dma_start3A_56 = tpu.memref_slice %arg9[%add3A_21, %dma_start3A_55] : memref<10240x128xf32, #tpu.memory_space<vmem_shared>> -> memref<128x128xf32, #tpu.memory_space<vmem_shared>>
      %dma_start3A_57 = arith.constant 0 : i32
      %dma_start3A_58 = tpu.memref_slice %arg9[%add3A_21, %dma_start3A_57] : memref<10240x128xf32, #tpu.memory_space<vmem_shared>> -> memref<128x128xf32, #tpu.memory_space<vmem_shared>>
      %dma_start3A_59 = arith.constant 0 : i32
      %dma_start3A_60 = arith.constant 0 : i32
      %dma_start3A_61 = tpu.memref_slice %arg8[%dma_start3A_59, %dma_start3A_60] : memref<128x128xf32, #tpu.memory_space<vmem>> -> memref<128x128xf32, #tpu.memory_space<vmem>>
      tpu.enqueue_dma source(%dma_start3A_61 : memref<128x128xf32, #tpu.memory_space<vmem>>) target(%dma_start3A_58 : memref<128x128xf32, #tpu.memory_space<vmem_shared>>) target_semaphore(%run_scoped3A : memref<!tpu.dma_semaphore, #tpu.memory_space<semaphore_mem>>)
      %dma_wait3A = arith.constant 0 : i32
      %dma_wait3A_62 = arith.constant 0 : i32
      %dma_wait3A_63 = tpu.memref_slice %arg8[%dma_wait3A, %dma_wait3A_62] : memref<128x128xf32, #tpu.memory_space<vmem>> -> memref<128x128xf32, #tpu.memory_space<vmem>>
      %dma_wait3A_64 = arith.constant 0 : i32
      %dma_wait3A_65 = tpu.memref_slice %arg9[%add3A_21, %dma_wait3A_64] : memref<10240x128xf32, #tpu.memory_space<vmem_shared>> -> memref<128x128xf32, #tpu.memory_space<vmem_shared>>
      %dma_wait3A_66 = arith.constant 0 : i32
      %dma_wait3A_67 = tpu.memref_slice %arg9[%add3A_21, %dma_wait3A_66] : memref<10240x128xf32, #tpu.memory_space<vmem_shared>> -> memref<128x128xf32, #tpu.memory_space<vmem_shared>>
      %dma_wait3A_68 = arith.constant 0 : i32
      %dma_wait3A_69 = arith.constant 0 : i32
      %dma_wait3A_70 = tpu.memref_slice %arg8[%dma_wait3A_68, %dma_wait3A_69] : memref<128x128xf32, #tpu.memory_space<vmem>> -> memref<128x128xf32, #tpu.memory_space<vmem>>
      tpu.wait_dma2 semaphore(%run_scoped3A : memref<!tpu.dma_semaphore, #tpu.memory_space<semaphore_mem>>) src(%dma_wait3A_70 : memref<128x128xf32, #tpu.memory_space<vmem>>) dst(%dma_wait3A_67 : memref<128x128xf32, #tpu.memory_space<vmem_shared>>)
      tpu.yield
    }) : () -> ()
    %mul3A_22 = arith.constant 640 : i32
    %mul3A_23 = arith.muli %arg1, %mul3A_22 : i32
    %add3A_24 = arith.constant 512 : i32
    %add3A_25 = arith.addi %mul3A_23, %add3A_24 : i32
    "tpu.region"() ({
      %run_scoped3A = tpu.sem_alloc : memref<!tpu.dma_semaphore, #tpu.memory_space<semaphore_mem>>
      %dma_start3A = arith.constant 0 : i32
      %dma_start3A_53 = arith.constant 0 : i32
      %dma_start3A_54 = tpu.memref_slice %arg8[%dma_start3A, %dma_start3A_53] : memref<128x128xf32, #tpu.memory_space<vmem>> -> memref<128x128xf32, #tpu.memory_space<vmem>>
      %dma_start3A_55 = arith.constant 0 : i32
      %dma_start3A_56 = tpu.memref_slice %arg9[%add3A_25, %dma_start3A_55] : memref<10240x128xf32, #tpu.memory_space<vmem_shared>> -> memref<128x128xf32, #tpu.memory_space<vmem_shared>>
      %dma_start3A_57 = arith.constant 0 : i32
      %dma_start3A_58 = tpu.memref_slice %arg9[%add3A_25, %dma_start3A_57] : memref<10240x128xf32, #tpu.memory_space<vmem_shared>> -> memref<128x128xf32, #tpu.memory_space<vmem_shared>>
      %dma_start3A_59 = arith.constant 0 : i32
      %dma_start3A_60 = arith.constant 0 : i32
      %dma_start3A_61 = tpu.memref_slice %arg8[%dma_start3A_59, %dma_start3A_60] : memref<128x128xf32, #tpu.memory_space<vmem>> -> memref<128x128xf32, #tpu.memory_space<vmem>>
      tpu.enqueue_dma source(%dma_start3A_61 : memref<128x128xf32, #tpu.memory_space<vmem>>) target(%dma_start3A_58 : memref<128x128xf32, #tpu.memory_space<vmem_shared>>) target_semaphore(%run_scoped3A : memref<!tpu.dma_semaphore, #tpu.memory_space<semaphore_mem>>)
      %dma_wait3A = arith.constant 0 : i32
      %dma_wait3A_62 = arith.constant 0 : i32
      %dma_wait3A_63 = tpu.memref_slice %arg8[%dma_wait3A, %dma_wait3A_62] : memref<128x128xf32, #tpu.memory_space<vmem>> -> memref<128x128xf32, #tpu.memory_space<vmem>>
      %dma_wait3A_64 = arith.constant 0 : i32
      %dma_wait3A_65 = tpu.memref_slice %arg9[%add3A_25, %dma_wait3A_64] : memref<10240x128xf32, #tpu.memory_space<vmem_shared>> -> memref<128x128xf32, #tpu.memory_space<vmem_shared>>
      %dma_wait3A_66 = arith.constant 0 : i32
      %dma_wait3A_67 = tpu.memref_slice %arg9[%add3A_25, %dma_wait3A_66] : memref<10240x128xf32, #tpu.memory_space<vmem_shared>> -> memref<128x128xf32, #tpu.memory_space<vmem_shared>>
      %dma_wait3A_68 = arith.constant 0 : i32
      %dma_wait3A_69 = arith.constant 0 : i32
      %dma_wait3A_70 = tpu.memref_slice %arg8[%dma_wait3A_68, %dma_wait3A_69] : memref<128x128xf32, #tpu.memory_space<vmem>> -> memref<128x128xf32, #tpu.memory_space<vmem>>
      tpu.wait_dma2 semaphore(%run_scoped3A : memref<!tpu.dma_semaphore, #tpu.memory_space<semaphore_mem>>) src(%dma_wait3A_70 : memref<128x128xf32, #tpu.memory_space<vmem>>) dst(%dma_wait3A_67 : memref<128x128xf32, #tpu.memory_space<vmem_shared>>)
      tpu.yield
    }) : () -> ()
    %barrier3A = arith.constant 0 : index
    tpu.barrier barrier_id(%barrier3A)
    %scan3A_26 = arith.constant 0 : i32
    %scan3A_27 = arith.constant 0 : i32
    %scan3A_28 = arith.constant 79 : i32
    %scan3A_29 = arith.addi %scan3A_27, %scan3A_28 : i32
    %scan3A_30 = arith.constant 1 : i32
    scf.for %scan3A_53 = %scan3A_27 to %scan3A_29 step %scan3A_30  : i32 {
      "tpu.region"() ({
        %run_scoped3A = tpu.sem_alloc : memref<!tpu.dma_semaphore, #tpu.memory_space<semaphore_mem>>
        %dma_start3A_58 = arith.constant 0 : i32
        %dma_start3A_59 = tpu.memref_slice %arg2[%add3A, %scan3A_53, %dma_start3A_58] : memref<32x79x128xi32, #tpu.memory_space<hbm>> -> memref<1x1x128xi32, #tpu.memory_space<hbm>>
        %dma_start3A_60 = tpu.memref_squeeze %dma_start3A_59 : memref<1x1x128xi32, #tpu.memory_space<hbm>> -> memref<128xi32, #tpu.memory_space<hbm>>
        %dma_start3A_61 = arith.constant 0 : i32
        %dma_start3A_62 = tpu.memref_slice %arg2[%add3A, %scan3A_53, %dma_start3A_61] : memref<32x79x128xi32, #tpu.memory_space<hbm>> -> memref<1x1x128xi32, #tpu.memory_space<hbm>>
        %dma_start3A_63 = tpu.memref_squeeze %dma_start3A_62 : memref<1x1x128xi32, #tpu.memory_space<hbm>> -> memref<128xi32, #tpu.memory_space<hbm>>
        tpu.enqueue_dma source(%dma_start3A_63 : memref<128xi32, #tpu.memory_space<hbm>>) target(%arg6 : memref<128xi32, #tpu.memory_space<vmem>>) target_semaphore(%run_scoped3A : memref<!tpu.dma_semaphore, #tpu.memory_space<semaphore_mem>>)
        %dma_wait3A_64 = arith.constant 0 : i32
        %dma_wait3A_65 = tpu.memref_slice %arg2[%add3A, %scan3A_53, %dma_wait3A_64] : memref<32x79x128xi32, #tpu.memory_space<hbm>> -> memref<1x1x128xi32, #tpu.memory_space<hbm>>
        %dma_wait3A_66 = tpu.memref_squeeze %dma_wait3A_65 : memref<1x1x128xi32, #tpu.memory_space<hbm>> -> memref<128xi32, #tpu.memory_space<hbm>>
        %dma_wait3A_67 = arith.constant 0 : i32
        %dma_wait3A_68 = tpu.memref_slice %arg2[%add3A, %scan3A_53, %dma_wait3A_67] : memref<32x79x128xi32, #tpu.memory_space<hbm>> -> memref<1x1x128xi32, #tpu.memory_space<hbm>>
        %dma_wait3A_69 = tpu.memref_squeeze %dma_wait3A_68 : memref<1x1x128xi32, #tpu.memory_space<hbm>> -> memref<128xi32, #tpu.memory_space<hbm>>
        tpu.wait_dma2 semaphore(%run_scoped3A : memref<!tpu.dma_semaphore, #tpu.memory_space<semaphore_mem>>) src(%dma_wait3A_69 : memref<128xi32, #tpu.memory_space<hbm>>) dst(%arg6 : memref<128xi32, #tpu.memory_space<vmem>>)
        tpu.yield
      }) : () -> ()
      "tpu.region"() ({
        %run_scoped3A = tpu.sem_alloc : memref<!tpu.dma_semaphore, #tpu.memory_space<semaphore_mem>>
        %dma_start3A_58 = arith.constant 0 : i32
        %dma_start3A_59 = tpu.memref_slice %arg3[%add3A, %scan3A_53, %dma_start3A_58] : memref<32x79x128xi32, #tpu.memory_space<hbm>> -> memref<1x1x128xi32, #tpu.memory_space<hbm>>
        %dma_start3A_60 = tpu.memref_squeeze %dma_start3A_59 : memref<1x1x128xi32, #tpu.memory_space<hbm>> -> memref<128xi32, #tpu.memory_space<hbm>>
        %dma_start3A_61 = arith.constant 0 : i32
        %dma_start3A_62 = tpu.memref_slice %arg3[%add3A, %scan3A_53, %dma_start3A_61] : memref<32x79x128xi32, #tpu.memory_space<hbm>> -> memref<1x1x128xi32, #tpu.memory_space<hbm>>
        %dma_start3A_63 = tpu.memref_squeeze %dma_start3A_62 : memref<1x1x128xi32, #tpu.memory_space<hbm>> -> memref<128xi32, #tpu.memory_space<hbm>>
        tpu.enqueue_dma source(%dma_start3A_63 : memref<128xi32, #tpu.memory_space<hbm>>) target(%arg7 : memref<128xi32, #tpu.memory_space<vmem>>) target_semaphore(%run_scoped3A : memref<!tpu.dma_semaphore, #tpu.memory_space<semaphore_mem>>)
        %dma_wait3A_64 = arith.constant 0 : i32
        %dma_wait3A_65 = tpu.memref_slice %arg3[%add3A, %scan3A_53, %dma_wait3A_64] : memref<32x79x128xi32, #tpu.memory_space<hbm>> -> memref<1x1x128xi32, #tpu.memory_space<hbm>>
        %dma_wait3A_66 = tpu.memref_squeeze %dma_wait3A_65 : memref<1x1x128xi32, #tpu.memory_space<hbm>> -> memref<128xi32, #tpu.memory_space<hbm>>
        %dma_wait3A_67 = arith.constant 0 : i32
        %dma_wait3A_68 = tpu.memref_slice %arg3[%add3A, %scan3A_53, %dma_wait3A_67] : memref<32x79x128xi32, #tpu.memory_space<hbm>> -> memref<1x1x128xi32, #tpu.memory_space<hbm>>
        %dma_wait3A_69 = tpu.memref_squeeze %dma_wait3A_68 : memref<1x1x128xi32, #tpu.memory_space<hbm>> -> memref<128xi32, #tpu.memory_space<hbm>>
        tpu.wait_dma2 semaphore(%run_scoped3A : memref<!tpu.dma_semaphore, #tpu.memory_space<semaphore_mem>>) src(%dma_wait3A_69 : memref<128xi32, #tpu.memory_space<hbm>>) dst(%arg7 : memref<128xi32, #tpu.memory_space<vmem>>)
        tpu.yield
      }) : () -> ()
      %dma_start3A = arith.constant 0 : i32
      %dma_start3A_54 = arith.constant 0 : i32
      %dma_start3A_55 = tpu.memref_slice %arg4[%dma_start3A, %dma_start3A_54] : memref<10000x128xf32, #tpu.memory_space<hbm>> -> memref<10000x128xf32, #tpu.memory_space<hbm>>
      tpu.enqueue_indirect_dma source(%dma_start3A_55 : memref<10000x128xf32, #tpu.memory_space<hbm>>) target(%arg8 : memref<128x128xf32, #tpu.memory_space<vmem>>) offsets(%arg6 : memref<128xi32, #tpu.memory_space<vmem>>) semaphore(%arg10 : memref<!tpu.dma_semaphore, #tpu.memory_space<semaphore_mem>>)
      %dma_wait3A = arith.constant 0 : i32
      %dma_wait3A_56 = arith.constant 0 : i32
      %dma_wait3A_57 = tpu.memref_slice %arg4[%dma_wait3A, %dma_wait3A_56] : memref<10000x128xf32, #tpu.memory_space<hbm>> -> memref<10000x128xf32, #tpu.memory_space<hbm>>
      tpu.wait_indirect_dma semaphore(%arg10 : memref<!tpu.dma_semaphore, #tpu.memory_space<semaphore_mem>>) src(%dma_wait3A_57 : memref<10000x128xf32, #tpu.memory_space<hbm>>) dst(%arg8 : memref<128x128xf32, #tpu.memory_space<vmem>>)
      "tpu.region"() ({
        %run_scoped3A = tpu.sem_alloc : memref<!tpu.dma_semaphore, #tpu.memory_space<semaphore_mem>>
        %dma_start3A_58 = arith.constant 0 : i32
        %dma_start3A_59 = arith.constant 0 : i32
        %dma_start3A_60 = tpu.memref_slice %arg9[%dma_start3A_58, %dma_start3A_59] : memref<10240x128xf32, #tpu.memory_space<vmem_shared>> -> memref<10240x128xf32, #tpu.memory_space<vmem_shared>>
        tpu.enqueue_indirect_dma source(%arg8 : memref<128x128xf32, #tpu.memory_space<vmem>>) target(%dma_start3A_60 : memref<10240x128xf32, #tpu.memory_space<vmem_shared>>) offsets(%arg7 : memref<128xi32, #tpu.memory_space<vmem>>) semaphore(%run_scoped3A : memref<!tpu.dma_semaphore, #tpu.memory_space<semaphore_mem>>) {add = true}
        %dma_wait3A_61 = arith.constant 0 : i32
        %dma_wait3A_62 = arith.constant 0 : i32
        %dma_wait3A_63 = tpu.memref_slice %arg9[%dma_wait3A_61, %dma_wait3A_62] : memref<10240x128xf32, #tpu.memory_space<vmem_shared>> -> memref<10240x128xf32, #tpu.memory_space<vmem_shared>>
        tpu.wait_indirect_dma semaphore(%run_scoped3A : memref<!tpu.dma_semaphore, #tpu.memory_space<semaphore_mem>>) src(%arg8 : memref<128x128xf32, #tpu.memory_space<vmem>>) dst(%dma_wait3A_63 : memref<10240x128xf32, #tpu.memory_space<vmem_shared>>)
        tpu.yield
      }) : () -> ()
    }
    %scan3A_31 = arith.constant 79 : i32
    %barrier3A_32 = arith.constant 0 : index
    tpu.barrier barrier_id(%barrier3A_32)
    %mul3A_33 = arith.constant 640 : i32
    %mul3A_34 = arith.muli %arg1, %mul3A_33 : i32
    %add3A_35 = arith.constant 0 : i32
    %add3A_36 = arith.addi %mul3A_34, %add3A_35 : i32
    "tpu.region"() ({
      %run_scoped3A = tpu.sem_alloc : memref<!tpu.dma_semaphore, #tpu.memory_space<semaphore_mem>>
      %dma_start3A = arith.constant 0 : i32
      %dma_start3A_53 = arith.constant 0 : i32
      %dma_start3A_54 = tpu.memref_slice %arg8[%dma_start3A, %dma_start3A_53] : memref<128x128xf32, #tpu.memory_space<vmem>> -> memref<128x128xf32, #tpu.memory_space<vmem>>
      %dma_start3A_55 = arith.constant 0 : i32
      %dma_start3A_56 = tpu.memref_slice %arg9[%add3A_36, %dma_start3A_55] : memref<10240x128xf32, #tpu.memory_space<vmem_shared>> -> memref<128x128xf32, #tpu.memory_space<vmem_shared>>
      %dma_start3A_57 = arith.constant 0 : i32
      %dma_start3A_58 = arith.constant 0 : i32
      %dma_start3A_59 = tpu.memref_slice %arg8[%dma_start3A_57, %dma_start3A_58] : memref<128x128xf32, #tpu.memory_space<vmem>> -> memref<128x128xf32, #tpu.memory_space<vmem>>
      %dma_start3A_60 = arith.constant 0 : i32
      %dma_start3A_61 = tpu.memref_slice %arg9[%add3A_36, %dma_start3A_60] : memref<10240x128xf32, #tpu.memory_space<vmem_shared>> -> memref<128x128xf32, #tpu.memory_space<vmem_shared>>
      tpu.enqueue_dma source(%dma_start3A_61 : memref<128x128xf32, #tpu.memory_space<vmem_shared>>) target(%dma_start3A_59 : memref<128x128xf32, #tpu.memory_space<vmem>>) target_semaphore(%run_scoped3A : memref<!tpu.dma_semaphore, #tpu.memory_space<semaphore_mem>>)
      %dma_wait3A = arith.constant 0 : i32
      %dma_wait3A_62 = arith.constant 0 : i32
      %dma_wait3A_63 = tpu.memref_slice %arg8[%dma_wait3A, %dma_wait3A_62] : memref<128x128xf32, #tpu.memory_space<vmem>> -> memref<128x128xf32, #tpu.memory_space<vmem>>
      %dma_wait3A_64 = arith.constant 0 : i32
      %dma_wait3A_65 = tpu.memref_slice %arg9[%add3A_36, %dma_wait3A_64] : memref<10240x128xf32, #tpu.memory_space<vmem_shared>> -> memref<128x128xf32, #tpu.memory_space<vmem_shared>>
      %dma_wait3A_66 = arith.constant 0 : i32
      %dma_wait3A_67 = arith.constant 0 : i32
      %dma_wait3A_68 = tpu.memref_slice %arg8[%dma_wait3A_66, %dma_wait3A_67] : memref<128x128xf32, #tpu.memory_space<vmem>> -> memref<128x128xf32, #tpu.memory_space<vmem>>
      %dma_wait3A_69 = arith.constant 0 : i32
      %dma_wait3A_70 = tpu.memref_slice %arg9[%add3A_36, %dma_wait3A_69] : memref<10240x128xf32, #tpu.memory_space<vmem_shared>> -> memref<128x128xf32, #tpu.memory_space<vmem_shared>>
      tpu.wait_dma2 semaphore(%run_scoped3A : memref<!tpu.dma_semaphore, #tpu.memory_space<semaphore_mem>>) src(%dma_wait3A_70 : memref<128x128xf32, #tpu.memory_space<vmem_shared>>) dst(%dma_wait3A_68 : memref<128x128xf32, #tpu.memory_space<vmem>>)
      tpu.yield
    }) : () -> ()
    "tpu.region"() ({
      %run_scoped3A = tpu.sem_alloc : memref<!tpu.dma_semaphore, #tpu.memory_space<semaphore_mem>>
      %dma_start3A = arith.constant 0 : i32
      %dma_start3A_53 = arith.constant 0 : i32
      %dma_start3A_54 = tpu.memref_slice %arg8[%dma_start3A, %dma_start3A_53] : memref<128x128xf32, #tpu.memory_space<vmem>> -> memref<128x128xf32, #tpu.memory_space<vmem>>
      %dma_start3A_55 = arith.constant 0 : i32
      %dma_start3A_56 = tpu.memref_slice %arg5[%arg0, %add3A_36, %dma_start3A_55] : memref<2x10240x128xf32, #tpu.memory_space<hbm>> -> memref<1x128x128xf32, #tpu.memory_space<hbm>>
      %dma_start3A_57 = tpu.memref_squeeze %dma_start3A_56 : memref<1x128x128xf32, #tpu.memory_space<hbm>> -> memref<128x128xf32, #tpu.memory_space<hbm>>
      %dma_start3A_58 = arith.constant 0 : i32
      %dma_start3A_59 = tpu.memref_slice %arg5[%arg0, %add3A_36, %dma_start3A_58] : memref<2x10240x128xf32, #tpu.memory_space<hbm>> -> memref<1x128x128xf32, #tpu.memory_space<hbm>>
      %dma_start3A_60 = tpu.memref_squeeze %dma_start3A_59 : memref<1x128x128xf32, #tpu.memory_space<hbm>> -> memref<128x128xf32, #tpu.memory_space<hbm>>
      %dma_start3A_61 = arith.constant 0 : i32
      %dma_start3A_62 = arith.constant 0 : i32
      %dma_start3A_63 = tpu.memref_slice %arg8[%dma_start3A_61, %dma_start3A_62] : memref<128x128xf32, #tpu.memory_space<vmem>> -> memref<128x128xf32, #tpu.memory_space<vmem>>
      tpu.enqueue_dma source(%dma_start3A_63 : memref<128x128xf32, #tpu.memory_space<vmem>>) target(%dma_start3A_60 : memref<128x128xf32, #tpu.memory_space<hbm>>) target_semaphore(%run_scoped3A : memref<!tpu.dma_semaphore, #tpu.memory_space<semaphore_mem>>)
      %dma_wait3A = arith.constant 0 : i32
      %dma_wait3A_64 = arith.constant 0 : i32
      %dma_wait3A_65 = tpu.memref_slice %arg8[%dma_wait3A, %dma_wait3A_64] : memref<128x128xf32, #tpu.memory_space<vmem>> -> memref<128x128xf32, #tpu.memory_space<vmem>>
      %dma_wait3A_66 = arith.constant 0 : i32
      %dma_wait3A_67 = tpu.memref_slice %arg5[%arg0, %add3A_36, %dma_wait3A_66] : memref<2x10240x128xf32, #tpu.memory_space<hbm>> -> memref<1x128x128xf32, #tpu.memory_space<hbm>>
      %dma_wait3A_68 = tpu.memref_squeeze %dma_wait3A_67 : memref<1x128x128xf32, #tpu.memory_space<hbm>> -> memref<128x128xf32, #tpu.memory_space<hbm>>
      %dma_wait3A_69 = arith.constant 0 : i32
      %dma_wait3A_70 = tpu.memref_slice %arg5[%arg0, %add3A_36, %dma_wait3A_69] : memref<2x10240x128xf32, #tpu.memory_space<hbm>> -> memref<1x128x128xf32, #tpu.memory_space<hbm>>
      %dma_wait3A_71 = tpu.memref_squeeze %dma_wait3A_70 : memref<1x128x128xf32, #tpu.memory_space<hbm>> -> memref<128x128xf32, #tpu.memory_space<hbm>>
      %dma_wait3A_72 = arith.constant 0 : i32
      %dma_wait3A_73 = arith.constant 0 : i32
      %dma_wait3A_74 = tpu.memref_slice %arg8[%dma_wait3A_72, %dma_wait3A_73] : memref<128x128xf32, #tpu.memory_space<vmem>> -> memref<128x128xf32, #tpu.memory_space<vmem>>
      tpu.wait_dma2 semaphore(%run_scoped3A : memref<!tpu.dma_semaphore, #tpu.memory_space<semaphore_mem>>) src(%dma_wait3A_74 : memref<128x128xf32, #tpu.memory_space<vmem>>) dst(%dma_wait3A_71 : memref<128x128xf32, #tpu.memory_space<hbm>>)
      tpu.yield
    }) : () -> ()
    %mul3A_37 = arith.constant 640 : i32
    %mul3A_38 = arith.muli %arg1, %mul3A_37 : i32
    %add3A_39 = arith.constant 128 : i32
    %add3A_40 = arith.addi %mul3A_38, %add3A_39 : i32
    "tpu.region"() ({
      %run_scoped3A = tpu.sem_alloc : memref<!tpu.dma_semaphore, #tpu.memory_space<semaphore_mem>>
      %dma_start3A = arith.constant 0 : i32
      %dma_start3A_53 = arith.constant 0 : i32
      %dma_start3A_54 = tpu.memref_slice %arg8[%dma_start3A, %dma_start3A_53] : memref<128x128xf32, #tpu.memory_space<vmem>> -> memref<128x128xf32, #tpu.memory_space<vmem>>
      %dma_start3A_55 = arith.constant 0 : i32
      %dma_start3A_56 = tpu.memref_slice %arg9[%add3A_40, %dma_start3A_55] : memref<10240x128xf32, #tpu.memory_space<vmem_shared>> -> memref<128x128xf32, #tpu.memory_space<vmem_shared>>
      %dma_start3A_57 = arith.constant 0 : i32
      %dma_start3A_58 = arith.constant 0 : i32
      %dma_start3A_59 = tpu.memref_slice %arg8[%dma_start3A_57, %dma_start3A_58] : memref<128x128xf32, #tpu.memory_space<vmem>> -> memref<128x128xf32, #tpu.memory_space<vmem>>
      %dma_start3A_60 = arith.constant 0 : i32
      %dma_start3A_61 = tpu.memref_slice %arg9[%add3A_40, %dma_start3A_60] : memref<10240x128xf32, #tpu.memory_space<vmem_shared>> -> memref<128x128xf32, #tpu.memory_space<vmem_shared>>
      tpu.enqueue_dma source(%dma_start3A_61 : memref<128x128xf32, #tpu.memory_space<vmem_shared>>) target(%dma_start3A_59 : memref<128x128xf32, #tpu.memory_space<vmem>>) target_semaphore(%run_scoped3A : memref<!tpu.dma_semaphore, #tpu.memory_space<semaphore_mem>>)
      %dma_wait3A = arith.constant 0 : i32
      %dma_wait3A_62 = arith.constant 0 : i32
      %dma_wait3A_63 = tpu.memref_slice %arg8[%dma_wait3A, %dma_wait3A_62] : memref<128x128xf32, #tpu.memory_space<vmem>> -> memref<128x128xf32, #tpu.memory_space<vmem>>
      %dma_wait3A_64 = arith.constant 0 : i32
      %dma_wait3A_65 = tpu.memref_slice %arg9[%add3A_40, %dma_wait3A_64] : memref<10240x128xf32, #tpu.memory_space<vmem_shared>> -> memref<128x128xf32, #tpu.memory_space<vmem_shared>>
      %dma_wait3A_66 = arith.constant 0 : i32
      %dma_wait3A_67 = arith.constant 0 : i32
      %dma_wait3A_68 = tpu.memref_slice %arg8[%dma_wait3A_66, %dma_wait3A_67] : memref<128x128xf32, #tpu.memory_space<vmem>> -> memref<128x128xf32, #tpu.memory_space<vmem>>
      %dma_wait3A_69 = arith.constant 0 : i32
      %dma_wait3A_70 = tpu.memref_slice %arg9[%add3A_40, %dma_wait3A_69] : memref<10240x128xf32, #tpu.memory_space<vmem_shared>> -> memref<128x128xf32, #tpu.memory_space<vmem_shared>>
      tpu.wait_dma2 semaphore(%run_scoped3A : memref<!tpu.dma_semaphore, #tpu.memory_space<semaphore_mem>>) src(%dma_wait3A_70 : memref<128x128xf32, #tpu.memory_space<vmem_shared>>) dst(%dma_wait3A_68 : memref<128x128xf32, #tpu.memory_space<vmem>>)
      tpu.yield
    }) : () -> ()
    "tpu.region"() ({
      %run_scoped3A = tpu.sem_alloc : memref<!tpu.dma_semaphore, #tpu.memory_space<semaphore_mem>>
      %dma_start3A = arith.constant 0 : i32
      %dma_start3A_53 = arith.constant 0 : i32
      %dma_start3A_54 = tpu.memref_slice %arg8[%dma_start3A, %dma_start3A_53] : memref<128x128xf32, #tpu.memory_space<vmem>> -> memref<128x128xf32, #tpu.memory_space<vmem>>
      %dma_start3A_55 = arith.constant 0 : i32
      %dma_start3A_56 = tpu.memref_slice %arg5[%arg0, %add3A_40, %dma_start3A_55] : memref<2x10240x128xf32, #tpu.memory_space<hbm>> -> memref<1x128x128xf32, #tpu.memory_space<hbm>>
      %dma_start3A_57 = tpu.memref_squeeze %dma_start3A_56 : memref<1x128x128xf32, #tpu.memory_space<hbm>> -> memref<128x128xf32, #tpu.memory_space<hbm>>
      %dma_start3A_58 = arith.constant 0 : i32
      %dma_start3A_59 = tpu.memref_slice %arg5[%arg0, %add3A_40, %dma_start3A_58] : memref<2x10240x128xf32, #tpu.memory_space<hbm>> -> memref<1x128x128xf32, #tpu.memory_space<hbm>>
      %dma_start3A_60 = tpu.memref_squeeze %dma_start3A_59 : memref<1x128x128xf32, #tpu.memory_space<hbm>> -> memref<128x128xf32, #tpu.memory_space<hbm>>
      %dma_start3A_61 = arith.constant 0 : i32
      %dma_start3A_62 = arith.constant 0 : i32
      %dma_start3A_63 = tpu.memref_slice %arg8[%dma_start3A_61, %dma_start3A_62] : memref<128x128xf32, #tpu.memory_space<vmem>> -> memref<128x128xf32, #tpu.memory_space<vmem>>
      tpu.enqueue_dma source(%dma_start3A_63 : memref<128x128xf32, #tpu.memory_space<vmem>>) target(%dma_start3A_60 : memref<128x128xf32, #tpu.memory_space<hbm>>) target_semaphore(%run_scoped3A : memref<!tpu.dma_semaphore, #tpu.memory_space<semaphore_mem>>)
      %dma_wait3A = arith.constant 0 : i32
      %dma_wait3A_64 = arith.constant 0 : i32
      %dma_wait3A_65 = tpu.memref_slice %arg8[%dma_wait3A, %dma_wait3A_64] : memref<128x128xf32, #tpu.memory_space<vmem>> -> memref<128x128xf32, #tpu.memory_space<vmem>>
      %dma_wait3A_66 = arith.constant 0 : i32
      %dma_wait3A_67 = tpu.memref_slice %arg5[%arg0, %add3A_40, %dma_wait3A_66] : memref<2x10240x128xf32, #tpu.memory_space<hbm>> -> memref<1x128x128xf32, #tpu.memory_space<hbm>>
      %dma_wait3A_68 = tpu.memref_squeeze %dma_wait3A_67 : memref<1x128x128xf32, #tpu.memory_space<hbm>> -> memref<128x128xf32, #tpu.memory_space<hbm>>
      %dma_wait3A_69 = arith.constant 0 : i32
      %dma_wait3A_70 = tpu.memref_slice %arg5[%arg0, %add3A_40, %dma_wait3A_69] : memref<2x10240x128xf32, #tpu.memory_space<hbm>> -> memref<1x128x128xf32, #tpu.memory_space<hbm>>
      %dma_wait3A_71 = tpu.memref_squeeze %dma_wait3A_70 : memref<1x128x128xf32, #tpu.memory_space<hbm>> -> memref<128x128xf32, #tpu.memory_space<hbm>>
      %dma_wait3A_72 = arith.constant 0 : i32
      %dma_wait3A_73 = arith.constant 0 : i32
      %dma_wait3A_74 = tpu.memref_slice %arg8[%dma_wait3A_72, %dma_wait3A_73] : memref<128x128xf32, #tpu.memory_space<vmem>> -> memref<128x128xf32, #tpu.memory_space<vmem>>
      tpu.wait_dma2 semaphore(%run_scoped3A : memref<!tpu.dma_semaphore, #tpu.memory_space<semaphore_mem>>) src(%dma_wait3A_74 : memref<128x128xf32, #tpu.memory_space<vmem>>) dst(%dma_wait3A_71 : memref<128x128xf32, #tpu.memory_space<hbm>>)
      tpu.yield
    }) : () -> ()
    %mul3A_41 = arith.constant 640 : i32
    %mul3A_42 = arith.muli %arg1, %mul3A_41 : i32
    %add3A_43 = arith.constant 256 : i32
    %add3A_44 = arith.addi %mul3A_42, %add3A_43 : i32
    "tpu.region"() ({
      %run_scoped3A = tpu.sem_alloc : memref<!tpu.dma_semaphore, #tpu.memory_space<semaphore_mem>>
      %dma_start3A = arith.constant 0 : i32
      %dma_start3A_53 = arith.constant 0 : i32
      %dma_start3A_54 = tpu.memref_slice %arg8[%dma_start3A, %dma_start3A_53] : memref<128x128xf32, #tpu.memory_space<vmem>> -> memref<128x128xf32, #tpu.memory_space<vmem>>
      %dma_start3A_55 = arith.constant 0 : i32
      %dma_start3A_56 = tpu.memref_slice %arg9[%add3A_44, %dma_start3A_55] : memref<10240x128xf32, #tpu.memory_space<vmem_shared>> -> memref<128x128xf32, #tpu.memory_space<vmem_shared>>
      %dma_start3A_57 = arith.constant 0 : i32
      %dma_start3A_58 = arith.constant 0 : i32
      %dma_start3A_59 = tpu.memref_slice %arg8[%dma_start3A_57, %dma_start3A_58] : memref<128x128xf32, #tpu.memory_space<vmem>> -> memref<128x128xf32, #tpu.memory_space<vmem>>
      %dma_start3A_60 = arith.constant 0 : i32
      %dma_start3A_61 = tpu.memref_slice %arg9[%add3A_44, %dma_start3A_60] : memref<10240x128xf32, #tpu.memory_space<vmem_shared>> -> memref<128x128xf32, #tpu.memory_space<vmem_shared>>
      tpu.enqueue_dma source(%dma_start3A_61 : memref<128x128xf32, #tpu.memory_space<vmem_shared>>) target(%dma_start3A_59 : memref<128x128xf32, #tpu.memory_space<vmem>>) target_semaphore(%run_scoped3A : memref<!tpu.dma_semaphore, #tpu.memory_space<semaphore_mem>>)
      %dma_wait3A = arith.constant 0 : i32
      %dma_wait3A_62 = arith.constant 0 : i32
      %dma_wait3A_63 = tpu.memref_slice %arg8[%dma_wait3A, %dma_wait3A_62] : memref<128x128xf32, #tpu.memory_space<vmem>> -> memref<128x128xf32, #tpu.memory_space<vmem>>
      %dma_wait3A_64 = arith.constant 0 : i32
      %dma_wait3A_65 = tpu.memref_slice %arg9[%add3A_44, %dma_wait3A_64] : memref<10240x128xf32, #tpu.memory_space<vmem_shared>> -> memref<128x128xf32, #tpu.memory_space<vmem_shared>>
      %dma_wait3A_66 = arith.constant 0 : i32
      %dma_wait3A_67 = arith.constant 0 : i32
      %dma_wait3A_68 = tpu.memref_slice %arg8[%dma_wait3A_66, %dma_wait3A_67] : memref<128x128xf32, #tpu.memory_space<vmem>> -> memref<128x128xf32, #tpu.memory_space<vmem>>
      %dma_wait3A_69 = arith.constant 0 : i32
      %dma_wait3A_70 = tpu.memref_slice %arg9[%add3A_44, %dma_wait3A_69] : memref<10240x128xf32, #tpu.memory_space<vmem_shared>> -> memref<128x128xf32, #tpu.memory_space<vmem_shared>>
      tpu.wait_dma2 semaphore(%run_scoped3A : memref<!tpu.dma_semaphore, #tpu.memory_space<semaphore_mem>>) src(%dma_wait3A_70 : memref<128x128xf32, #tpu.memory_space<vmem_shared>>) dst(%dma_wait3A_68 : memref<128x128xf32, #tpu.memory_space<vmem>>)
      tpu.yield
    }) : () -> ()
    "tpu.region"() ({
      %run_scoped3A = tpu.sem_alloc : memref<!tpu.dma_semaphore, #tpu.memory_space<semaphore_mem>>
      %dma_start3A = arith.constant 0 : i32
      %dma_start3A_53 = arith.constant 0 : i32
      %dma_start3A_54 = tpu.memref_slice %arg8[%dma_start3A, %dma_start3A_53] : memref<128x128xf32, #tpu.memory_space<vmem>> -> memref<128x128xf32, #tpu.memory_space<vmem>>
      %dma_start3A_55 = arith.constant 0 : i32
      %dma_start3A_56 = tpu.memref_slice %arg5[%arg0, %add3A_44, %dma_start3A_55] : memref<2x10240x128xf32, #tpu.memory_space<hbm>> -> memref<1x128x128xf32, #tpu.memory_space<hbm>>
      %dma_start3A_57 = tpu.memref_squeeze %dma_start3A_56 : memref<1x128x128xf32, #tpu.memory_space<hbm>> -> memref<128x128xf32, #tpu.memory_space<hbm>>
      %dma_start3A_58 = arith.constant 0 : i32
      %dma_start3A_59 = tpu.memref_slice %arg5[%arg0, %add3A_44, %dma_start3A_58] : memref<2x10240x128xf32, #tpu.memory_space<hbm>> -> memref<1x128x128xf32, #tpu.memory_space<hbm>>
      %dma_start3A_60 = tpu.memref_squeeze %dma_start3A_59 : memref<1x128x128xf32, #tpu.memory_space<hbm>> -> memref<128x128xf32, #tpu.memory_space<hbm>>
      %dma_start3A_61 = arith.constant 0 : i32
      %dma_start3A_62 = arith.constant 0 : i32
      %dma_start3A_63 = tpu.memref_slice %arg8[%dma_start3A_61, %dma_start3A_62] : memref<128x128xf32, #tpu.memory_space<vmem>> -> memref<128x128xf32, #tpu.memory_space<vmem>>
      tpu.enqueue_dma source(%dma_start3A_63 : memref<128x128xf32, #tpu.memory_space<vmem>>) target(%dma_start3A_60 : memref<128x128xf32, #tpu.memory_space<hbm>>) target_semaphore(%run_scoped3A : memref<!tpu.dma_semaphore, #tpu.memory_space<semaphore_mem>>)
      %dma_wait3A = arith.constant 0 : i32
      %dma_wait3A_64 = arith.constant 0 : i32
      %dma_wait3A_65 = tpu.memref_slice %arg8[%dma_wait3A, %dma_wait3A_64] : memref<128x128xf32, #tpu.memory_space<vmem>> -> memref<128x128xf32, #tpu.memory_space<vmem>>
      %dma_wait3A_66 = arith.constant 0 : i32
      %dma_wait3A_67 = tpu.memref_slice %arg5[%arg0, %add3A_44, %dma_wait3A_66] : memref<2x10240x128xf32, #tpu.memory_space<hbm>> -> memref<1x128x128xf32, #tpu.memory_space<hbm>>
      %dma_wait3A_68 = tpu.memref_squeeze %dma_wait3A_67 : memref<1x128x128xf32, #tpu.memory_space<hbm>> -> memref<128x128xf32, #tpu.memory_space<hbm>>
      %dma_wait3A_69 = arith.constant 0 : i32
      %dma_wait3A_70 = tpu.memref_slice %arg5[%arg0, %add3A_44, %dma_wait3A_69] : memref<2x10240x128xf32, #tpu.memory_space<hbm>> -> memref<1x128x128xf32, #tpu.memory_space<hbm>>
      %dma_wait3A_71 = tpu.memref_squeeze %dma_wait3A_70 : memref<1x128x128xf32, #tpu.memory_space<hbm>> -> memref<128x128xf32, #tpu.memory_space<hbm>>
      %dma_wait3A_72 = arith.constant 0 : i32
      %dma_wait3A_73 = arith.constant 0 : i32
      %dma_wait3A_74 = tpu.memref_slice %arg8[%dma_wait3A_72, %dma_wait3A_73] : memref<128x128xf32, #tpu.memory_space<vmem>> -> memref<128x128xf32, #tpu.memory_space<vmem>>
      tpu.wait_dma2 semaphore(%run_scoped3A : memref<!tpu.dma_semaphore, #tpu.memory_space<semaphore_mem>>) src(%dma_wait3A_74 : memref<128x128xf32, #tpu.memory_space<vmem>>) dst(%dma_wait3A_71 : memref<128x128xf32, #tpu.memory_space<hbm>>)
      tpu.yield
    }) : () -> ()
    %mul3A_45 = arith.constant 640 : i32
    %mul3A_46 = arith.muli %arg1, %mul3A_45 : i32
    %add3A_47 = arith.constant 384 : i32
    %add3A_48 = arith.addi %mul3A_46, %add3A_47 : i32
    "tpu.region"() ({
      %run_scoped3A = tpu.sem_alloc : memref<!tpu.dma_semaphore, #tpu.memory_space<semaphore_mem>>
      %dma_start3A = arith.constant 0 : i32
      %dma_start3A_53 = arith.constant 0 : i32
      %dma_start3A_54 = tpu.memref_slice %arg8[%dma_start3A, %dma_start3A_53] : memref<128x128xf32, #tpu.memory_space<vmem>> -> memref<128x128xf32, #tpu.memory_space<vmem>>
      %dma_start3A_55 = arith.constant 0 : i32
      %dma_start3A_56 = tpu.memref_slice %arg9[%add3A_48, %dma_start3A_55] : memref<10240x128xf32, #tpu.memory_space<vmem_shared>> -> memref<128x128xf32, #tpu.memory_space<vmem_shared>>
      %dma_start3A_57 = arith.constant 0 : i32
      %dma_start3A_58 = arith.constant 0 : i32
      %dma_start3A_59 = tpu.memref_slice %arg8[%dma_start3A_57, %dma_start3A_58] : memref<128x128xf32, #tpu.memory_space<vmem>> -> memref<128x128xf32, #tpu.memory_space<vmem>>
      %dma_start3A_60 = arith.constant 0 : i32
      %dma_start3A_61 = tpu.memref_slice %arg9[%add3A_48, %dma_start3A_60] : memref<10240x128xf32, #tpu.memory_space<vmem_shared>> -> memref<128x128xf32, #tpu.memory_space<vmem_shared>>
      tpu.enqueue_dma source(%dma_start3A_61 : memref<128x128xf32, #tpu.memory_space<vmem_shared>>) target(%dma_start3A_59 : memref<128x128xf32, #tpu.memory_space<vmem>>) target_semaphore(%run_scoped3A : memref<!tpu.dma_semaphore, #tpu.memory_space<semaphore_mem>>)
      %dma_wait3A = arith.constant 0 : i32
      %dma_wait3A_62 = arith.constant 0 : i32
      %dma_wait3A_63 = tpu.memref_slice %arg8[%dma_wait3A, %dma_wait3A_62] : memref<128x128xf32, #tpu.memory_space<vmem>> -> memref<128x128xf32, #tpu.memory_space<vmem>>
      %dma_wait3A_64 = arith.constant 0 : i32
      %dma_wait3A_65 = tpu.memref_slice %arg9[%add3A_48, %dma_wait3A_64] : memref<10240x128xf32, #tpu.memory_space<vmem_shared>> -> memref<128x128xf32, #tpu.memory_space<vmem_shared>>
      %dma_wait3A_66 = arith.constant 0 : i32
      %dma_wait3A_67 = arith.constant 0 : i32
      %dma_wait3A_68 = tpu.memref_slice %arg8[%dma_wait3A_66, %dma_wait3A_67] : memref<128x128xf32, #tpu.memory_space<vmem>> -> memref<128x128xf32, #tpu.memory_space<vmem>>
      %dma_wait3A_69 = arith.constant 0 : i32
      %dma_wait3A_70 = tpu.memref_slice %arg9[%add3A_48, %dma_wait3A_69] : memref<10240x128xf32, #tpu.memory_space<vmem_shared>> -> memref<128x128xf32, #tpu.memory_space<vmem_shared>>
      tpu.wait_dma2 semaphore(%run_scoped3A : memref<!tpu.dma_semaphore, #tpu.memory_space<semaphore_mem>>) src(%dma_wait3A_70 : memref<128x128xf32, #tpu.memory_space<vmem_shared>>) dst(%dma_wait3A_68 : memref<128x128xf32, #tpu.memory_space<vmem>>)
      tpu.yield
    }) : () -> ()
    "tpu.region"() ({
      %run_scoped3A = tpu.sem_alloc : memref<!tpu.dma_semaphore, #tpu.memory_space<semaphore_mem>>
      %dma_start3A = arith.constant 0 : i32
      %dma_start3A_53 = arith.constant 0 : i32
      %dma_start3A_54 = tpu.memref_slice %arg8[%dma_start3A, %dma_start3A_53] : memref<128x128xf32, #tpu.memory_space<vmem>> -> memref<128x128xf32, #tpu.memory_space<vmem>>
      %dma_start3A_55 = arith.constant 0 : i32
      %dma_start3A_56 = tpu.memref_slice %arg5[%arg0, %add3A_48, %dma_start3A_55] : memref<2x10240x128xf32, #tpu.memory_space<hbm>> -> memref<1x128x128xf32, #tpu.memory_space<hbm>>
      %dma_start3A_57 = tpu.memref_squeeze %dma_start3A_56 : memref<1x128x128xf32, #tpu.memory_space<hbm>> -> memref<128x128xf32, #tpu.memory_space<hbm>>
      %dma_start3A_58 = arith.constant 0 : i32
      %dma_start3A_59 = tpu.memref_slice %arg5[%arg0, %add3A_48, %dma_start3A_58] : memref<2x10240x128xf32, #tpu.memory_space<hbm>> -> memref<1x128x128xf32, #tpu.memory_space<hbm>>
      %dma_start3A_60 = tpu.memref_squeeze %dma_start3A_59 : memref<1x128x128xf32, #tpu.memory_space<hbm>> -> memref<128x128xf32, #tpu.memory_space<hbm>>
      %dma_start3A_61 = arith.constant 0 : i32
      %dma_start3A_62 = arith.constant 0 : i32
      %dma_start3A_63 = tpu.memref_slice %arg8[%dma_start3A_61, %dma_start3A_62] : memref<128x128xf32, #tpu.memory_space<vmem>> -> memref<128x128xf32, #tpu.memory_space<vmem>>
      tpu.enqueue_dma source(%dma_start3A_63 : memref<128x128xf32, #tpu.memory_space<vmem>>) target(%dma_start3A_60 : memref<128x128xf32, #tpu.memory_space<hbm>>) target_semaphore(%run_scoped3A : memref<!tpu.dma_semaphore, #tpu.memory_space<semaphore_mem>>)
      %dma_wait3A = arith.constant 0 : i32
      %dma_wait3A_64 = arith.constant 0 : i32
      %dma_wait3A_65 = tpu.memref_slice %arg8[%dma_wait3A, %dma_wait3A_64] : memref<128x128xf32, #tpu.memory_space<vmem>> -> memref<128x128xf32, #tpu.memory_space<vmem>>
      %dma_wait3A_66 = arith.constant 0 : i32
      %dma_wait3A_67 = tpu.memref_slice %arg5[%arg0, %add3A_48, %dma_wait3A_66] : memref<2x10240x128xf32, #tpu.memory_space<hbm>> -> memref<1x128x128xf32, #tpu.memory_space<hbm>>
      %dma_wait3A_68 = tpu.memref_squeeze %dma_wait3A_67 : memref<1x128x128xf32, #tpu.memory_space<hbm>> -> memref<128x128xf32, #tpu.memory_space<hbm>>
      %dma_wait3A_69 = arith.constant 0 : i32
      %dma_wait3A_70 = tpu.memref_slice %arg5[%arg0, %add3A_48, %dma_wait3A_69] : memref<2x10240x128xf32, #tpu.memory_space<hbm>> -> memref<1x128x128xf32, #tpu.memory_space<hbm>>
      %dma_wait3A_71 = tpu.memref_squeeze %dma_wait3A_70 : memref<1x128x128xf32, #tpu.memory_space<hbm>> -> memref<128x128xf32, #tpu.memory_space<hbm>>
      %dma_wait3A_72 = arith.constant 0 : i32
      %dma_wait3A_73 = arith.constant 0 : i32
      %dma_wait3A_74 = tpu.memref_slice %arg8[%dma_wait3A_72, %dma_wait3A_73] : memref<128x128xf32, #tpu.memory_space<vmem>> -> memref<128x128xf32, #tpu.memory_space<vmem>>
      tpu.wait_dma2 semaphore(%run_scoped3A : memref<!tpu.dma_semaphore, #tpu.memory_space<semaphore_mem>>) src(%dma_wait3A_74 : memref<128x128xf32, #tpu.memory_space<vmem>>) dst(%dma_wait3A_71 : memref<128x128xf32, #tpu.memory_space<hbm>>)
      tpu.yield
    }) : () -> ()
    %mul3A_49 = arith.constant 640 : i32
    %mul3A_50 = arith.muli %arg1, %mul3A_49 : i32
    %add3A_51 = arith.constant 512 : i32
    %add3A_52 = arith.addi %mul3A_50, %add3A_51 : i32
    "tpu.region"() ({
      %run_scoped3A = tpu.sem_alloc : memref<!tpu.dma_semaphore, #tpu.memory_space<semaphore_mem>>
      %dma_start3A = arith.constant 0 : i32
      %dma_start3A_53 = arith.constant 0 : i32
      %dma_start3A_54 = tpu.memref_slice %arg8[%dma_start3A, %dma_start3A_53] : memref<128x128xf32, #tpu.memory_space<vmem>> -> memref<128x128xf32, #tpu.memory_space<vmem>>
      %dma_start3A_55 = arith.constant 0 : i32
      %dma_start3A_56 = tpu.memref_slice %arg9[%add3A_52, %dma_start3A_55] : memref<10240x128xf32, #tpu.memory_space<vmem_shared>> -> memref<128x128xf32, #tpu.memory_space<vmem_shared>>
      %dma_start3A_57 = arith.constant 0 : i32
      %dma_start3A_58 = arith.constant 0 : i32
      %dma_start3A_59 = tpu.memref_slice %arg8[%dma_start3A_57, %dma_start3A_58] : memref<128x128xf32, #tpu.memory_space<vmem>> -> memref<128x128xf32, #tpu.memory_space<vmem>>
      %dma_start3A_60 = arith.constant 0 : i32
      %dma_start3A_61 = tpu.memref_slice %arg9[%add3A_52, %dma_start3A_60] : memref<10240x128xf32, #tpu.memory_space<vmem_shared>> -> memref<128x128xf32, #tpu.memory_space<vmem_shared>>
      tpu.enqueue_dma source(%dma_start3A_61 : memref<128x128xf32, #tpu.memory_space<vmem_shared>>) target(%dma_start3A_59 : memref<128x128xf32, #tpu.memory_space<vmem>>) target_semaphore(%run_scoped3A : memref<!tpu.dma_semaphore, #tpu.memory_space<semaphore_mem>>)
      %dma_wait3A = arith.constant 0 : i32
      %dma_wait3A_62 = arith.constant 0 : i32
      %dma_wait3A_63 = tpu.memref_slice %arg8[%dma_wait3A, %dma_wait3A_62] : memref<128x128xf32, #tpu.memory_space<vmem>> -> memref<128x128xf32, #tpu.memory_space<vmem>>
      %dma_wait3A_64 = arith.constant 0 : i32
      %dma_wait3A_65 = tpu.memref_slice %arg9[%add3A_52, %dma_wait3A_64] : memref<10240x128xf32, #tpu.memory_space<vmem_shared>> -> memref<128x128xf32, #tpu.memory_space<vmem_shared>>
      %dma_wait3A_66 = arith.constant 0 : i32
      %dma_wait3A_67 = arith.constant 0 : i32
      %dma_wait3A_68 = tpu.memref_slice %arg8[%dma_wait3A_66, %dma_wait3A_67] : memref<128x128xf32, #tpu.memory_space<vmem>> -> memref<128x128xf32, #tpu.memory_space<vmem>>
      %dma_wait3A_69 = arith.constant 0 : i32
      %dma_wait3A_70 = tpu.memref_slice %arg9[%add3A_52, %dma_wait3A_69] : memref<10240x128xf32, #tpu.memory_space<vmem_shared>> -> memref<128x128xf32, #tpu.memory_space<vmem_shared>>
      tpu.wait_dma2 semaphore(%run_scoped3A : memref<!tpu.dma_semaphore, #tpu.memory_space<semaphore_mem>>) src(%dma_wait3A_70 : memref<128x128xf32, #tpu.memory_space<vmem_shared>>) dst(%dma_wait3A_68 : memref<128x128xf32, #tpu.memory_space<vmem>>)
      tpu.yield
    }) : () -> ()
    "tpu.region"() ({
      %run_scoped3A = tpu.sem_alloc : memref<!tpu.dma_semaphore, #tpu.memory_space<semaphore_mem>>
      %dma_start3A = arith.constant 0 : i32
      %dma_start3A_53 = arith.constant 0 : i32
      %dma_start3A_54 = tpu.memref_slice %arg8[%dma_start3A, %dma_start3A_53] : memref<128x128xf32, #tpu.memory_space<vmem>> -> memref<128x128xf32, #tpu.memory_space<vmem>>
      %dma_start3A_55 = arith.constant 0 : i32
      %dma_start3A_56 = tpu.memref_slice %arg5[%arg0, %add3A_52, %dma_start3A_55] : memref<2x10240x128xf32, #tpu.memory_space<hbm>> -> memref<1x128x128xf32, #tpu.memory_space<hbm>>
      %dma_start3A_57 = tpu.memref_squeeze %dma_start3A_56 : memref<1x128x128xf32, #tpu.memory_space<hbm>> -> memref<128x128xf32, #tpu.memory_space<hbm>>
      %dma_start3A_58 = arith.constant 0 : i32
      %dma_start3A_59 = tpu.memref_slice %arg5[%arg0, %add3A_52, %dma_start3A_58] : memref<2x10240x128xf32, #tpu.memory_space<hbm>> -> memref<1x128x128xf32, #tpu.memory_space<hbm>>
      %dma_start3A_60 = tpu.memref_squeeze %dma_start3A_59 : memref<1x128x128xf32, #tpu.memory_space<hbm>> -> memref<128x128xf32, #tpu.memory_space<hbm>>
      %dma_start3A_61 = arith.constant 0 : i32
      %dma_start3A_62 = arith.constant 0 : i32
      %dma_start3A_63 = tpu.memref_slice %arg8[%dma_start3A_61, %dma_start3A_62] : memref<128x128xf32, #tpu.memory_space<vmem>> -> memref<128x128xf32, #tpu.memory_space<vmem>>
      tpu.enqueue_dma source(%dma_start3A_63 : memref<128x128xf32, #tpu.memory_space<vmem>>) target(%dma_start3A_60 : memref<128x128xf32, #tpu.memory_space<hbm>>) target_semaphore(%run_scoped3A : memref<!tpu.dma_semaphore, #tpu.memory_space<semaphore_mem>>)
      %dma_wait3A = arith.constant 0 : i32
      %dma_wait3A_64 = arith.constant 0 : i32
      %dma_wait3A_65 = tpu.memref_slice %arg8[%dma_wait3A, %dma_wait3A_64] : memref<128x128xf32, #tpu.memory_space<vmem>> -> memref<128x128xf32, #tpu.memory_space<vmem>>
      %dma_wait3A_66 = arith.constant 0 : i32
      %dma_wait3A_67 = tpu.memref_slice %arg5[%arg0, %add3A_52, %dma_wait3A_66] : memref<2x10240x128xf32, #tpu.memory_space<hbm>> -> memref<1x128x128xf32, #tpu.memory_space<hbm>>
      %dma_wait3A_68 = tpu.memref_squeeze %dma_wait3A_67 : memref<1x128x128xf32, #tpu.memory_space<hbm>> -> memref<128x128xf32, #tpu.memory_space<hbm>>
      %dma_wait3A_69 = arith.constant 0 : i32
      %dma_wait3A_70 = tpu.memref_slice %arg5[%arg0, %add3A_52, %dma_wait3A_69] : memref<2x10240x128xf32, #tpu.memory_space<hbm>> -> memref<1x128x128xf32, #tpu.memory_space<hbm>>
      %dma_wait3A_71 = tpu.memref_squeeze %dma_wait3A_70 : memref<1x128x128xf32, #tpu.memory_space<hbm>> -> memref<128x128xf32, #tpu.memory_space<hbm>>
      %dma_wait3A_72 = arith.constant 0 : i32
      %dma_wait3A_73 = arith.constant 0 : i32
      %dma_wait3A_74 = tpu.memref_slice %arg8[%dma_wait3A_72, %dma_wait3A_73] : memref<128x128xf32, #tpu.memory_space<vmem>> -> memref<128x128xf32, #tpu.memory_space<vmem>>
      tpu.wait_dma2 semaphore(%run_scoped3A : memref<!tpu.dma_semaphore, #tpu.memory_space<semaphore_mem>>) src(%dma_wait3A_74 : memref<128x128xf32, #tpu.memory_space<vmem>>) dst(%dma_wait3A_71 : memref<128x128xf32, #tpu.memory_space<hbm>>)
      tpu.yield
    }) : () -> ()
    return
  }
}

#map = affine_map<(d0, d1) -> (0, 0, 0)>
#map1 = affine_map<(d0, d1) -> (0, 0)>
module attributes {stable_mosaic.version = 14 : i64} {
  func.func @_seg_sum(%arg0: i32, %arg1: i32, %arg2: memref<32x79x128xi32, #tpu.memory_space<hbm>>, %arg3: memref<32x79x128xi32, #tpu.memory_space<hbm>>, %arg4: memref<10000x128xf32, #tpu.memory_space<hbm>>, %arg5: memref<2x10240x128xf32, #tpu.memory_space<hbm>>, %arg6: memref<128xi32, #tpu.memory_space<vmem>>, %arg7: memref<128xi32, #tpu.memory_space<vmem>>, %arg8: memref<128x128xf32, #tpu.memory_space<vmem>>, %arg9: memref<10240x128xf32, #tpu.memory_space<vmem_shared>>, %arg10: memref<!tpu.dma_semaphore, #tpu.memory_space<semaphore_mem>>) attributes {dimension_semantics = [#tpu.dimension_semantics<core_parallel>, #tpu.dimension_semantics<subcore_parallel>], iteration_bounds = array<i64: 2, 16>, scalar_prefetch = 0 : i64, scratch_operands = 5 : i64, tpu.core_type = #tpu.core_type<sc_vector_subcore>, window_params = [{transform_indices = #map}, {transform_indices = #map}, {transform_indices = #map1}, {transform_indices = #map}]} {
    %mul3A = arith.constant 16 : i32
    %mul3A_0 = arith.muli %arg0, %mul3A : i32
    %add3A = arith.addi %mul3A_0, %arg1 : i32
    %scan3A = arith.constant 0 : i32
    %scan3A_1 = arith.constant 0 : i32
    %scan3A_2 = arith.constant 128 : i32
    %scan3A_3 = arith.addi %scan3A_1, %scan3A_2 : i32
    %scan3A_4 = arith.constant 1 : i32
    scf.for %scan3A_53 = %scan3A_1 to %scan3A_3 step %scan3A_4  : i32 {
      %broadcast_in_dim3A = arith.constant 0.000000e+00 : f32
      %broadcast_in_dim3A_54 = vector.broadcast %broadcast_in_dim3A : f32 to vector<16xf32>
      %swap3A = arith.index_cast %scan3A_53 : i32 to index
      %swap3A_55 = arith.constant 0 : index
      %swap3A_56 = tpu.vector_load %arg8[%swap3A, %swap3A_55] {strides = array<i32>} : memref<128x128xf32, #tpu.memory_space<vmem>>, vector<1x16xf32>,
      %swap3A_57 = vector.shape_cast %swap3A_56 : vector<1x16xf32> to vector<16xf32>
      %swap3A_58 = vector.shape_cast %broadcast_in_dim3A_54 : vector<16xf32> to vector<1x16xf32>
      tpu.vector_store %arg8[%swap3A, %swap3A_55], %swap3A_58 {strides = array<i32>} : memref<128x128xf32, #tpu.memory_space<vmem>>, vector<1x16xf32>,
      %broadcast_in_dim3A_59 = arith.constant 0.000000e+00 : f32
      %broadcast_in_dim3A_60 = vector.broadcast %broadcast_in_dim3A_59 : f32 to vector<16xf32>
      %swap3A_61 = arith.index_cast %scan3A_53 : i32 to index
      %swap3A_62 = arith.constant 16 : index
      %swap3A_63 = tpu.vector_load %arg8[%swap3A_61, %swap3A_62] {strides = array<i32>} : memref<128x128xf32, #tpu.memory_space<vmem>>, vector<1x16xf32>,
      %swap3A_64 = vector.shape_cast %swap3A_63 : vector<1x16xf32> to vector<16xf32>
      %swap3A_65 = vector.shape_cast %broadcast_in_dim3A_60 : vector<16xf32> to vector<1x16xf32>
      tpu.vector_store %arg8[%swap3A_61, %swap3A_62], %swap3A_65 {strides = array<i32>} : memref<128x128xf32, #tpu.memory_space<vmem>>, vector<1x16xf32>,
      %broadcast_in_dim3A_66 = arith.constant 0.000000e+00 : f32
      %broadcast_in_dim3A_67 = vector.broadcast %broadcast_in_dim3A_66 : f32 to vector<16xf32>
      %swap3A_68 = arith.index_cast %scan3A_53 : i32 to index
      %swap3A_69 = arith.constant 32 : index
      %swap3A_70 = tpu.vector_load %arg8[%swap3A_68, %swap3A_69] {strides = array<i32>} : memref<128x128xf32, #tpu.memory_space<vmem>>, vector<1x16xf32>,
      %swap3A_71 = vector.shape_cast %swap3A_70 : vector<1x16xf32> to vector<16xf32>
      %swap3A_72 = vector.shape_cast %broadcast_in_dim3A_67 : vector<16xf32> to vector<1x16xf32>
      tpu.vector_store %arg8[%swap3A_68, %swap3A_69], %swap3A_72 {strides = array<i32>} : memref<128x128xf32, #tpu.memory_space<vmem>>, vector<1x16xf32>,
      %broadcast_in_dim3A_73 = arith.constant 0.000000e+00 : f32
      %broadcast_in_dim3A_74 = vector.broadcast %broadcast_in_dim3A_73 : f32 to vector<16xf32>
      %swap3A_75 = arith.index_cast %scan3A_53 : i32 to index
      %swap3A_76 = arith.constant 48 : index
      %swap3A_77 = tpu.vector_load %arg8[%swap3A_75, %swap3A_76] {strides = array<i32>} : memref<128x128xf32, #tpu.memory_space<vmem>>, vector<1x16xf32>,
      %swap3A_78 = vector.shape_cast %swap3A_77 : vector<1x16xf32> to vector<16xf32>
      %swap3A_79 = vector.shape_cast %broadcast_in_dim3A_74 : vector<16xf32> to vector<1x16xf32>
      tpu.vector_store %arg8[%swap3A_75, %swap3A_76], %swap3A_79 {strides = array<i32>} : memref<128x128xf32, #tpu.memory_space<vmem>>, vector<1x16xf32>,
      %broadcast_in_dim3A_80 = arith.constant 0.000000e+00 : f32
      %broadcast_in_dim3A_81 = vector.broadcast %broadcast_in_dim3A_80 : f32 to vector<16xf32>
      %swap3A_82 = arith.index_cast %scan3A_53 : i32 to index
      %swap3A_83 = arith.constant 64 : index
      %swap3A_84 = tpu.vector_load %arg8[%swap3A_82, %swap3A_83] {strides = array<i32>} : memref<128x128xf32, #tpu.memory_space<vmem>>, vector<1x16xf32>,
      %swap3A_85 = vector.shape_cast %swap3A_84 : vector<1x16xf32> to vector<16xf32>
      %swap3A_86 = vector.shape_cast %broadcast_in_dim3A_81 : vector<16xf32> to vector<1x16xf32>
      tpu.vector_store %arg8[%swap3A_82, %swap3A_83], %swap3A_86 {strides = array<i32>} : memref<128x128xf32, #tpu.memory_space<vmem>>, vector<1x16xf32>,
      %broadcast_in_dim3A_87 = arith.constant 0.000000e+00 : f32
      %broadcast_in_dim3A_88 = vector.broadcast %broadcast_in_dim3A_87 : f32 to vector<16xf32>
      %swap3A_89 = arith.index_cast %scan3A_53 : i32 to index
      %swap3A_90 = arith.constant 80 : index
      %swap3A_91 = tpu.vector_load %arg8[%swap3A_89, %swap3A_90] {strides = array<i32>} : memref<128x128xf32, #tpu.memory_space<vmem>>, vector<1x16xf32>,
      %swap3A_92 = vector.shape_cast %swap3A_91 : vector<1x16xf32> to vector<16xf32>
      %swap3A_93 = vector.shape_cast %broadcast_in_dim3A_88 : vector<16xf32> to vector<1x16xf32>
      tpu.vector_store %arg8[%swap3A_89, %swap3A_90], %swap3A_93 {strides = array<i32>} : memref<128x128xf32, #tpu.memory_space<vmem>>, vector<1x16xf32>,
      %broadcast_in_dim3A_94 = arith.constant 0.000000e+00 : f32
      %broadcast_in_dim3A_95 = vector.broadcast %broadcast_in_dim3A_94 : f32 to vector<16xf32>
      %swap3A_96 = arith.index_cast %scan3A_53 : i32 to index
      %swap3A_97 = arith.constant 96 : index
      %swap3A_98 = tpu.vector_load %arg8[%swap3A_96, %swap3A_97] {strides = array<i32>} : memref<128x128xf32, #tpu.memory_space<vmem>>, vector<1x16xf32>,
      %swap3A_99 = vector.shape_cast %swap3A_98 : vector<1x16xf32> to vector<16xf32>
      %swap3A_100 = vector.shape_cast %broadcast_in_dim3A_95 : vector<16xf32> to vector<1x16xf32>
      tpu.vector_store %arg8[%swap3A_96, %swap3A_97], %swap3A_100 {strides = array<i32>} : memref<128x128xf32, #tpu.memory_space<vmem>>, vector<1x16xf32>,
      %broadcast_in_dim3A_101 = arith.constant 0.000000e+00 : f32
      %broadcast_in_dim3A_102 = vector.broadcast %broadcast_in_dim3A_101 : f32 to vector<16xf32>
      %swap3A_103 = arith.index_cast %scan3A_53 : i32 to index
      %swap3A_104 = arith.constant 112 : index
      %swap3A_105 = tpu.vector_load %arg8[%swap3A_103, %swap3A_104] {strides = array<i32>} : memref<128x128xf32, #tpu.memory_space<vmem>>, vector<1x16xf32>,
      %swap3A_106 = vector.shape_cast %swap3A_105 : vector<1x16xf32> to vector<16xf32>
      %swap3A_107 = vector.shape_cast %broadcast_in_dim3A_102 : vector<16xf32> to vector<1x16xf32>
      tpu.vector_store %arg8[%swap3A_103, %swap3A_104], %swap3A_107 {strides = array<i32>} : memref<128x128xf32, #tpu.memory_space<vmem>>, vector<1x16xf32>,
    }
    %scan3A_5 = arith.constant 128 : i32
    %mul3A_6 = arith.constant 640 : i32
    %mul3A_7 = arith.muli %arg1, %mul3A_6 : i32
    %add3A_8 = arith.constant 0 : i32
    %add3A_9 = arith.addi %mul3A_7, %add3A_8 : i32
    "tpu.region"() ({
      %run_scoped3A = tpu.sem_alloc : memref<!tpu.dma_semaphore, #tpu.memory_space<semaphore_mem>>
      %dma_start3A = arith.constant 0 : i32
      %dma_start3A_53 = arith.constant 0 : i32
      %dma_start3A_54 = tpu.memref_slice %arg8[%dma_start3A, %dma_start3A_53] : memref<128x128xf32, #tpu.memory_space<vmem>> -> memref<128x128xf32, #tpu.memory_space<vmem>>
      %dma_start3A_55 = arith.constant 0 : i32
      %dma_start3A_56 = tpu.memref_slice %arg9[%add3A_9, %dma_start3A_55] : memref<10240x128xf32, #tpu.memory_space<vmem_shared>> -> memref<128x128xf32, #tpu.memory_space<vmem_shared>>
      %dma_start3A_57 = arith.constant 0 : i32
      %dma_start3A_58 = tpu.memref_slice %arg9[%add3A_9, %dma_start3A_57] : memref<10240x128xf32, #tpu.memory_space<vmem_shared>> -> memref<128x128xf32, #tpu.memory_space<vmem_shared>>
      %dma_start3A_59 = arith.constant 0 : i32
      %dma_start3A_60 = arith.constant 0 : i32
      %dma_start3A_61 = tpu.memref_slice %arg8[%dma_start3A_59, %dma_start3A_60] : memref<128x128xf32, #tpu.memory_space<vmem>> -> memref<128x128xf32, #tpu.memory_space<vmem>>
      tpu.enqueue_dma source(%dma_start3A_61 : memref<128x128xf32, #tpu.memory_space<vmem>>) target(%dma_start3A_58 : memref<128x128xf32, #tpu.memory_space<vmem_shared>>) target_semaphore(%run_scoped3A : memref<!tpu.dma_semaphore, #tpu.memory_space<semaphore_mem>>)
      %dma_wait3A = arith.constant 0 : i32
      %dma_wait3A_62 = arith.constant 0 : i32
      %dma_wait3A_63 = tpu.memref_slice %arg8[%dma_wait3A, %dma_wait3A_62] : memref<128x128xf32, #tpu.memory_space<vmem>> -> memref<128x128xf32, #tpu.memory_space<vmem>>
      %dma_wait3A_64 = arith.constant 0 : i32
      %dma_wait3A_65 = tpu.memref_slice %arg9[%add3A_9, %dma_wait3A_64] : memref<10240x128xf32, #tpu.memory_space<vmem_shared>> -> memref<128x128xf32, #tpu.memory_space<vmem_shared>>
      %dma_wait3A_66 = arith.constant 0 : i32
      %dma_wait3A_67 = tpu.memref_slice %arg9[%add3A_9, %dma_wait3A_66] : memref<10240x128xf32, #tpu.memory_space<vmem_shared>> -> memref<128x128xf32, #tpu.memory_space<vmem_shared>>
      %dma_wait3A_68 = arith.constant 0 : i32
      %dma_wait3A_69 = arith.constant 0 : i32
      %dma_wait3A_70 = tpu.memref_slice %arg8[%dma_wait3A_68, %dma_wait3A_69] : memref<128x128xf32, #tpu.memory_space<vmem>> -> memref<128x128xf32, #tpu.memory_space<vmem>>
      tpu.wait_dma2 semaphore(%run_scoped3A : memref<!tpu.dma_semaphore, #tpu.memory_space<semaphore_mem>>) src(%dma_wait3A_70 : memref<128x128xf32, #tpu.memory_space<vmem>>) dst(%dma_wait3A_67 : memref<128x128xf32, #tpu.memory_space<vmem_shared>>)
      tpu.yield
    }) : () -> ()
    %mul3A_10 = arith.constant 640 : i32
    %mul3A_11 = arith.muli %arg1, %mul3A_10 : i32
    %add3A_12 = arith.constant 128 : i32
    %add3A_13 = arith.addi %mul3A_11, %add3A_12 : i32
    "tpu.region"() ({
      %run_scoped3A = tpu.sem_alloc : memref<!tpu.dma_semaphore, #tpu.memory_space<semaphore_mem>>
      %dma_start3A = arith.constant 0 : i32
      %dma_start3A_53 = arith.constant 0 : i32
      %dma_start3A_54 = tpu.memref_slice %arg8[%dma_start3A, %dma_start3A_53] : memref<128x128xf32, #tpu.memory_space<vmem>> -> memref<128x128xf32, #tpu.memory_space<vmem>>
      %dma_start3A_55 = arith.constant 0 : i32
      %dma_start3A_56 = tpu.memref_slice %arg9[%add3A_13, %dma_start3A_55] : memref<10240x128xf32, #tpu.memory_space<vmem_shared>> -> memref<128x128xf32, #tpu.memory_space<vmem_shared>>
      %dma_start3A_57 = arith.constant 0 : i32
      %dma_start3A_58 = tpu.memref_slice %arg9[%add3A_13, %dma_start3A_57] : memref<10240x128xf32, #tpu.memory_space<vmem_shared>> -> memref<128x128xf32, #tpu.memory_space<vmem_shared>>
      %dma_start3A_59 = arith.constant 0 : i32
      %dma_start3A_60 = arith.constant 0 : i32
      %dma_start3A_61 = tpu.memref_slice %arg8[%dma_start3A_59, %dma_start3A_60] : memref<128x128xf32, #tpu.memory_space<vmem>> -> memref<128x128xf32, #tpu.memory_space<vmem>>
      tpu.enqueue_dma source(%dma_start3A_61 : memref<128x128xf32, #tpu.memory_space<vmem>>) target(%dma_start3A_58 : memref<128x128xf32, #tpu.memory_space<vmem_shared>>) target_semaphore(%run_scoped3A : memref<!tpu.dma_semaphore, #tpu.memory_space<semaphore_mem>>)
      %dma_wait3A = arith.constant 0 : i32
      %dma_wait3A_62 = arith.constant 0 : i32
      %dma_wait3A_63 = tpu.memref_slice %arg8[%dma_wait3A, %dma_wait3A_62] : memref<128x128xf32, #tpu.memory_space<vmem>> -> memref<128x128xf32, #tpu.memory_space<vmem>>
      %dma_wait3A_64 = arith.constant 0 : i32
      %dma_wait3A_65 = tpu.memref_slice %arg9[%add3A_13, %dma_wait3A_64] : memref<10240x128xf32, #tpu.memory_space<vmem_shared>> -> memref<128x128xf32, #tpu.memory_space<vmem_shared>>
      %dma_wait3A_66 = arith.constant 0 : i32
      %dma_wait3A_67 = tpu.memref_slice %arg9[%add3A_13, %dma_wait3A_66] : memref<10240x128xf32, #tpu.memory_space<vmem_shared>> -> memref<128x128xf32, #tpu.memory_space<vmem_shared>>
      %dma_wait3A_68 = arith.constant 0 : i32
      %dma_wait3A_69 = arith.constant 0 : i32
      %dma_wait3A_70 = tpu.memref_slice %arg8[%dma_wait3A_68, %dma_wait3A_69] : memref<128x128xf32, #tpu.memory_space<vmem>> -> memref<128x128xf32, #tpu.memory_space<vmem>>
      tpu.wait_dma2 semaphore(%run_scoped3A : memref<!tpu.dma_semaphore, #tpu.memory_space<semaphore_mem>>) src(%dma_wait3A_70 : memref<128x128xf32, #tpu.memory_space<vmem>>) dst(%dma_wait3A_67 : memref<128x128xf32, #tpu.memory_space<vmem_shared>>)
      tpu.yield
    }) : () -> ()
    %mul3A_14 = arith.constant 640 : i32
    %mul3A_15 = arith.muli %arg1, %mul3A_14 : i32
    %add3A_16 = arith.constant 256 : i32
    %add3A_17 = arith.addi %mul3A_15, %add3A_16 : i32
    "tpu.region"() ({
      %run_scoped3A = tpu.sem_alloc : memref<!tpu.dma_semaphore, #tpu.memory_space<semaphore_mem>>
      %dma_start3A = arith.constant 0 : i32
      %dma_start3A_53 = arith.constant 0 : i32
      %dma_start3A_54 = tpu.memref_slice %arg8[%dma_start3A, %dma_start3A_53] : memref<128x128xf32, #tpu.memory_space<vmem>> -> memref<128x128xf32, #tpu.memory_space<vmem>>
      %dma_start3A_55 = arith.constant 0 : i32
      %dma_start3A_56 = tpu.memref_slice %arg9[%add3A_17, %dma_start3A_55] : memref<10240x128xf32, #tpu.memory_space<vmem_shared>> -> memref<128x128xf32, #tpu.memory_space<vmem_shared>>
      %dma_start3A_57 = arith.constant 0 : i32
      %dma_start3A_58 = tpu.memref_slice %arg9[%add3A_17, %dma_start3A_57] : memref<10240x128xf32, #tpu.memory_space<vmem_shared>> -> memref<128x128xf32, #tpu.memory_space<vmem_shared>>
      %dma_start3A_59 = arith.constant 0 : i32
      %dma_start3A_60 = arith.constant 0 : i32
      %dma_start3A_61 = tpu.memref_slice %arg8[%dma_start3A_59, %dma_start3A_60] : memref<128x128xf32, #tpu.memory_space<vmem>> -> memref<128x128xf32, #tpu.memory_space<vmem>>
      tpu.enqueue_dma source(%dma_start3A_61 : memref<128x128xf32, #tpu.memory_space<vmem>>) target(%dma_start3A_58 : memref<128x128xf32, #tpu.memory_space<vmem_shared>>) target_semaphore(%run_scoped3A : memref<!tpu.dma_semaphore, #tpu.memory_space<semaphore_mem>>)
      %dma_wait3A = arith.constant 0 : i32
      %dma_wait3A_62 = arith.constant 0 : i32
      %dma_wait3A_63 = tpu.memref_slice %arg8[%dma_wait3A, %dma_wait3A_62] : memref<128x128xf32, #tpu.memory_space<vmem>> -> memref<128x128xf32, #tpu.memory_space<vmem>>
      %dma_wait3A_64 = arith.constant 0 : i32
      %dma_wait3A_65 = tpu.memref_slice %arg9[%add3A_17, %dma_wait3A_64] : memref<10240x128xf32, #tpu.memory_space<vmem_shared>> -> memref<128x128xf32, #tpu.memory_space<vmem_shared>>
      %dma_wait3A_66 = arith.constant 0 : i32
      %dma_wait3A_67 = tpu.memref_slice %arg9[%add3A_17, %dma_wait3A_66] : memref<10240x128xf32, #tpu.memory_space<vmem_shared>> -> memref<128x128xf32, #tpu.memory_space<vmem_shared>>
      %dma_wait3A_68 = arith.constant 0 : i32
      %dma_wait3A_69 = arith.constant 0 : i32
      %dma_wait3A_70 = tpu.memref_slice %arg8[%dma_wait3A_68, %dma_wait3A_69] : memref<128x128xf32, #tpu.memory_space<vmem>> -> memref<128x128xf32, #tpu.memory_space<vmem>>
      tpu.wait_dma2 semaphore(%run_scoped3A : memref<!tpu.dma_semaphore, #tpu.memory_space<semaphore_mem>>) src(%dma_wait3A_70 : memref<128x128xf32, #tpu.memory_space<vmem>>) dst(%dma_wait3A_67 : memref<128x128xf32, #tpu.memory_space<vmem_shared>>)
      tpu.yield
    }) : () -> ()
    %mul3A_18 = arith.constant 640 : i32
    %mul3A_19 = arith.muli %arg1, %mul3A_18 : i32
    %add3A_20 = arith.constant 384 : i32
    %add3A_21 = arith.addi %mul3A_19, %add3A_20 : i32
    "tpu.region"() ({
      %run_scoped3A = tpu.sem_alloc : memref<!tpu.dma_semaphore, #tpu.memory_space<semaphore_mem>>
      %dma_start3A = arith.constant 0 : i32
      %dma_start3A_53 = arith.constant 0 : i32
      %dma_start3A_54 = tpu.memref_slice %arg8[%dma_start3A, %dma_start3A_53] : memref<128x128xf32, #tpu.memory_space<vmem>> -> memref<128x128xf32, #tpu.memory_space<vmem>>
      %dma_start3A_55 = arith.constant 0 : i32
      %dma_start3A_56 = tpu.memref_slice %arg9[%add3A_21, %dma_start3A_55] : memref<10240x128xf32, #tpu.memory_space<vmem_shared>> -> memref<128x128xf32, #tpu.memory_space<vmem_shared>>
      %dma_start3A_57 = arith.constant 0 : i32
      %dma_start3A_58 = tpu.memref_slice %arg9[%add3A_21, %dma_start3A_57] : memref<10240x128xf32, #tpu.memory_space<vmem_shared>> -> memref<128x128xf32, #tpu.memory_space<vmem_shared>>
      %dma_start3A_59 = arith.constant 0 : i32
      %dma_start3A_60 = arith.constant 0 : i32
      %dma_start3A_61 = tpu.memref_slice %arg8[%dma_start3A_59, %dma_start3A_60] : memref<128x128xf32, #tpu.memory_space<vmem>> -> memref<128x128xf32, #tpu.memory_space<vmem>>
      tpu.enqueue_dma source(%dma_start3A_61 : memref<128x128xf32, #tpu.memory_space<vmem>>) target(%dma_start3A_58 : memref<128x128xf32, #tpu.memory_space<vmem_shared>>) target_semaphore(%run_scoped3A : memref<!tpu.dma_semaphore, #tpu.memory_space<semaphore_mem>>)
      %dma_wait3A = arith.constant 0 : i32
      %dma_wait3A_62 = arith.constant 0 : i32
      %dma_wait3A_63 = tpu.memref_slice %arg8[%dma_wait3A, %dma_wait3A_62] : memref<128x128xf32, #tpu.memory_space<vmem>> -> memref<128x128xf32, #tpu.memory_space<vmem>>
      %dma_wait3A_64 = arith.constant 0 : i32
      %dma_wait3A_65 = tpu.memref_slice %arg9[%add3A_21, %dma_wait3A_64] : memref<10240x128xf32, #tpu.memory_space<vmem_shared>> -> memref<128x128xf32, #tpu.memory_space<vmem_shared>>
      %dma_wait3A_66 = arith.constant 0 : i32
      %dma_wait3A_67 = tpu.memref_slice %arg9[%add3A_21, %dma_wait3A_66] : memref<10240x128xf32, #tpu.memory_space<vmem_shared>> -> memref<128x128xf32, #tpu.memory_space<vmem_shared>>
      %dma_wait3A_68 = arith.constant 0 : i32
      %dma_wait3A_69 = arith.constant 0 : i32
      %dma_wait3A_70 = tpu.memref_slice %arg8[%dma_wait3A_68, %dma_wait3A_69] : memref<128x128xf32, #tpu.memory_space<vmem>> -> memref<128x128xf32, #tpu.memory_space<vmem>>
      tpu.wait_dma2 semaphore(%run_scoped3A : memref<!tpu.dma_semaphore, #tpu.memory_space<semaphore_mem>>) src(%dma_wait3A_70 : memref<128x128xf32, #tpu.memory_space<vmem>>) dst(%dma_wait3A_67 : memref<128x128xf32, #tpu.memory_space<vmem_shared>>)
      tpu.yield
    }) : () -> ()
    %mul3A_22 = arith.constant 640 : i32
    %mul3A_23 = arith.muli %arg1, %mul3A_22 : i32
    %add3A_24 = arith.constant 512 : i32
    %add3A_25 = arith.addi %mul3A_23, %add3A_24 : i32
    "tpu.region"() ({
      %run_scoped3A = tpu.sem_alloc : memref<!tpu.dma_semaphore, #tpu.memory_space<semaphore_mem>>
      %dma_start3A = arith.constant 0 : i32
      %dma_start3A_53 = arith.constant 0 : i32
      %dma_start3A_54 = tpu.memref_slice %arg8[%dma_start3A, %dma_start3A_53] : memref<128x128xf32, #tpu.memory_space<vmem>> -> memref<128x128xf32, #tpu.memory_space<vmem>>
      %dma_start3A_55 = arith.constant 0 : i32
      %dma_start3A_56 = tpu.memref_slice %arg9[%add3A_25, %dma_start3A_55] : memref<10240x128xf32, #tpu.memory_space<vmem_shared>> -> memref<128x128xf32, #tpu.memory_space<vmem_shared>>
      %dma_start3A_57 = arith.constant 0 : i32
      %dma_start3A_58 = tpu.memref_slice %arg9[%add3A_25, %dma_start3A_57] : memref<10240x128xf32, #tpu.memory_space<vmem_shared>> -> memref<128x128xf32, #tpu.memory_space<vmem_shared>>
      %dma_start3A_59 = arith.constant 0 : i32
      %dma_start3A_60 = arith.constant 0 : i32
      %dma_start3A_61 = tpu.memref_slice %arg8[%dma_start3A_59, %dma_start3A_60] : memref<128x128xf32, #tpu.memory_space<vmem>> -> memref<128x128xf32, #tpu.memory_space<vmem>>
      tpu.enqueue_dma source(%dma_start3A_61 : memref<128x128xf32, #tpu.memory_space<vmem>>) target(%dma_start3A_58 : memref<128x128xf32, #tpu.memory_space<vmem_shared>>) target_semaphore(%run_scoped3A : memref<!tpu.dma_semaphore, #tpu.memory_space<semaphore_mem>>)
      %dma_wait3A = arith.constant 0 : i32
      %dma_wait3A_62 = arith.constant 0 : i32
      %dma_wait3A_63 = tpu.memref_slice %arg8[%dma_wait3A, %dma_wait3A_62] : memref<128x128xf32, #tpu.memory_space<vmem>> -> memref<128x128xf32, #tpu.memory_space<vmem>>
      %dma_wait3A_64 = arith.constant 0 : i32
      %dma_wait3A_65 = tpu.memref_slice %arg9[%add3A_25, %dma_wait3A_64] : memref<10240x128xf32, #tpu.memory_space<vmem_shared>> -> memref<128x128xf32, #tpu.memory_space<vmem_shared>>
      %dma_wait3A_66 = arith.constant 0 : i32
      %dma_wait3A_67 = tpu.memref_slice %arg9[%add3A_25, %dma_wait3A_66] : memref<10240x128xf32, #tpu.memory_space<vmem_shared>> -> memref<128x128xf32, #tpu.memory_space<vmem_shared>>
      %dma_wait3A_68 = arith.constant 0 : i32
      %dma_wait3A_69 = arith.constant 0 : i32
      %dma_wait3A_70 = tpu.memref_slice %arg8[%dma_wait3A_68, %dma_wait3A_69] : memref<128x128xf32, #tpu.memory_space<vmem>> -> memref<128x128xf32, #tpu.memory_space<vmem>>
      tpu.wait_dma2 semaphore(%run_scoped3A : memref<!tpu.dma_semaphore, #tpu.memory_space<semaphore_mem>>) src(%dma_wait3A_70 : memref<128x128xf32, #tpu.memory_space<vmem>>) dst(%dma_wait3A_67 : memref<128x128xf32, #tpu.memory_space<vmem_shared>>)
      tpu.yield
    }) : () -> ()
    %barrier3A = arith.constant 0 : index
    tpu.barrier barrier_id(%barrier3A)
    %scan3A_26 = arith.constant 0 : i32
    %scan3A_27 = arith.constant 0 : i32
    %scan3A_28 = arith.constant 79 : i32
    %scan3A_29 = arith.addi %scan3A_27, %scan3A_28 : i32
    %scan3A_30 = arith.constant 1 : i32
    scf.for %scan3A_53 = %scan3A_27 to %scan3A_29 step %scan3A_30  : i32 {
      "tpu.region"() ({
        %run_scoped3A = tpu.sem_alloc : memref<!tpu.dma_semaphore, #tpu.memory_space<semaphore_mem>>
        %dma_start3A_58 = arith.constant 0 : i32
        %dma_start3A_59 = tpu.memref_slice %arg2[%add3A, %scan3A_53, %dma_start3A_58] : memref<32x79x128xi32, #tpu.memory_space<hbm>> -> memref<1x1x128xi32, #tpu.memory_space<hbm>>
        %dma_start3A_60 = tpu.memref_squeeze %dma_start3A_59 : memref<1x1x128xi32, #tpu.memory_space<hbm>> -> memref<128xi32, #tpu.memory_space<hbm>>
        %dma_start3A_61 = arith.constant 0 : i32
        %dma_start3A_62 = tpu.memref_slice %arg2[%add3A, %scan3A_53, %dma_start3A_61] : memref<32x79x128xi32, #tpu.memory_space<hbm>> -> memref<1x1x128xi32, #tpu.memory_space<hbm>>
        %dma_start3A_63 = tpu.memref_squeeze %dma_start3A_62 : memref<1x1x128xi32, #tpu.memory_space<hbm>> -> memref<128xi32, #tpu.memory_space<hbm>>
        tpu.enqueue_dma source(%dma_start3A_63 : memref<128xi32, #tpu.memory_space<hbm>>) target(%arg6 : memref<128xi32, #tpu.memory_space<vmem>>) target_semaphore(%run_scoped3A : memref<!tpu.dma_semaphore, #tpu.memory_space<semaphore_mem>>)
        %dma_wait3A_64 = arith.constant 0 : i32
        %dma_wait3A_65 = tpu.memref_slice %arg2[%add3A, %scan3A_53, %dma_wait3A_64] : memref<32x79x128xi32, #tpu.memory_space<hbm>> -> memref<1x1x128xi32, #tpu.memory_space<hbm>>
        %dma_wait3A_66 = tpu.memref_squeeze %dma_wait3A_65 : memref<1x1x128xi32, #tpu.memory_space<hbm>> -> memref<128xi32, #tpu.memory_space<hbm>>
        %dma_wait3A_67 = arith.constant 0 : i32
        %dma_wait3A_68 = tpu.memref_slice %arg2[%add3A, %scan3A_53, %dma_wait3A_67] : memref<32x79x128xi32, #tpu.memory_space<hbm>> -> memref<1x1x128xi32, #tpu.memory_space<hbm>>
        %dma_wait3A_69 = tpu.memref_squeeze %dma_wait3A_68 : memref<1x1x128xi32, #tpu.memory_space<hbm>> -> memref<128xi32, #tpu.memory_space<hbm>>
        tpu.wait_dma2 semaphore(%run_scoped3A : memref<!tpu.dma_semaphore, #tpu.memory_space<semaphore_mem>>) src(%dma_wait3A_69 : memref<128xi32, #tpu.memory_space<hbm>>) dst(%arg6 : memref<128xi32, #tpu.memory_space<vmem>>)
        tpu.yield
      }) : () -> ()
      "tpu.region"() ({
        %run_scoped3A = tpu.sem_alloc : memref<!tpu.dma_semaphore, #tpu.memory_space<semaphore_mem>>
        %dma_start3A_58 = arith.constant 0 : i32
        %dma_start3A_59 = tpu.memref_slice %arg3[%add3A, %scan3A_53, %dma_start3A_58] : memref<32x79x128xi32, #tpu.memory_space<hbm>> -> memref<1x1x128xi32, #tpu.memory_space<hbm>>
        %dma_start3A_60 = tpu.memref_squeeze %dma_start3A_59 : memref<1x1x128xi32, #tpu.memory_space<hbm>> -> memref<128xi32, #tpu.memory_space<hbm>>
        %dma_start3A_61 = arith.constant 0 : i32
        %dma_start3A_62 = tpu.memref_slice %arg3[%add3A, %scan3A_53, %dma_start3A_61] : memref<32x79x128xi32, #tpu.memory_space<hbm>> -> memref<1x1x128xi32, #tpu.memory_space<hbm>>
        %dma_start3A_63 = tpu.memref_squeeze %dma_start3A_62 : memref<1x1x128xi32, #tpu.memory_space<hbm>> -> memref<128xi32, #tpu.memory_space<hbm>>
        tpu.enqueue_dma source(%dma_start3A_63 : memref<128xi32, #tpu.memory_space<hbm>>) target(%arg7 : memref<128xi32, #tpu.memory_space<vmem>>) target_semaphore(%run_scoped3A : memref<!tpu.dma_semaphore, #tpu.memory_space<semaphore_mem>>)
        %dma_wait3A_64 = arith.constant 0 : i32
        %dma_wait3A_65 = tpu.memref_slice %arg3[%add3A, %scan3A_53, %dma_wait3A_64] : memref<32x79x128xi32, #tpu.memory_space<hbm>> -> memref<1x1x128xi32, #tpu.memory_space<hbm>>
        %dma_wait3A_66 = tpu.memref_squeeze %dma_wait3A_65 : memref<1x1x128xi32, #tpu.memory_space<hbm>> -> memref<128xi32, #tpu.memory_space<hbm>>
        %dma_wait3A_67 = arith.constant 0 : i32
        %dma_wait3A_68 = tpu.memref_slice %arg3[%add3A, %scan3A_53, %dma_wait3A_67] : memref<32x79x128xi32, #tpu.memory_space<hbm>> -> memref<1x1x128xi32, #tpu.memory_space<hbm>>
        %dma_wait3A_69 = tpu.memref_squeeze %dma_wait3A_68 : memref<1x1x128xi32, #tpu.memory_space<hbm>> -> memref<128xi32, #tpu.memory_space<hbm>>
        tpu.wait_dma2 semaphore(%run_scoped3A : memref<!tpu.dma_semaphore, #tpu.memory_space<semaphore_mem>>) src(%dma_wait3A_69 : memref<128xi32, #tpu.memory_space<hbm>>) dst(%arg7 : memref<128xi32, #tpu.memory_space<vmem>>)
        tpu.yield
      }) : () -> ()
      %dma_start3A = arith.constant 0 : i32
      %dma_start3A_54 = arith.constant 0 : i32
      %dma_start3A_55 = tpu.memref_slice %arg4[%dma_start3A, %dma_start3A_54] : memref<10000x128xf32, #tpu.memory_space<hbm>> -> memref<10000x128xf32, #tpu.memory_space<hbm>>
      tpu.enqueue_indirect_dma source(%dma_start3A_55 : memref<10000x128xf32, #tpu.memory_space<hbm>>) target(%arg8 : memref<128x128xf32, #tpu.memory_space<vmem>>) offsets(%arg6 : memref<128xi32, #tpu.memory_space<vmem>>) semaphore(%arg10 : memref<!tpu.dma_semaphore, #tpu.memory_space<semaphore_mem>>)
      %dma_wait3A = arith.constant 0 : i32
      %dma_wait3A_56 = arith.constant 0 : i32
      %dma_wait3A_57 = tpu.memref_slice %arg4[%dma_wait3A, %dma_wait3A_56] : memref<10000x128xf32, #tpu.memory_space<hbm>> -> memref<10000x128xf32, #tpu.memory_space<hbm>>
      tpu.wait_indirect_dma semaphore(%arg10 : memref<!tpu.dma_semaphore, #tpu.memory_space<semaphore_mem>>) src(%dma_wait3A_57 : memref<10000x128xf32, #tpu.memory_space<hbm>>) dst(%arg8 : memref<128x128xf32, #tpu.memory_space<vmem>>)
      "tpu.region"() ({
        %run_scoped3A = tpu.sem_alloc : memref<!tpu.dma_semaphore, #tpu.memory_space<semaphore_mem>>
        %dma_start3A_58 = arith.constant 0 : i32
        %dma_start3A_59 = arith.constant 0 : i32
        %dma_start3A_60 = tpu.memref_slice %arg9[%dma_start3A_58, %dma_start3A_59] : memref<10240x128xf32, #tpu.memory_space<vmem_shared>> -> memref<10240x128xf32, #tpu.memory_space<vmem_shared>>
        tpu.enqueue_indirect_dma source(%arg8 : memref<128x128xf32, #tpu.memory_space<vmem>>) target(%dma_start3A_60 : memref<10240x128xf32, #tpu.memory_space<vmem_shared>>) offsets(%arg7 : memref<128xi32, #tpu.memory_space<vmem>>) semaphore(%run_scoped3A : memref<!tpu.dma_semaphore, #tpu.memory_space<semaphore_mem>>) {add = true}
        %dma_wait3A_61 = arith.constant 0 : i32
        %dma_wait3A_62 = arith.constant 0 : i32
        %dma_wait3A_63 = tpu.memref_slice %arg9[%dma_wait3A_61, %dma_wait3A_62] : memref<10240x128xf32, #tpu.memory_space<vmem_shared>> -> memref<10240x128xf32, #tpu.memory_space<vmem_shared>>
        tpu.wait_indirect_dma semaphore(%run_scoped3A : memref<!tpu.dma_semaphore, #tpu.memory_space<semaphore_mem>>) src(%arg8 : memref<128x128xf32, #tpu.memory_space<vmem>>) dst(%dma_wait3A_63 : memref<10240x128xf32, #tpu.memory_space<vmem_shared>>)
        tpu.yield
      }) : () -> ()
    }
    %scan3A_31 = arith.constant 79 : i32
    %barrier3A_32 = arith.constant 0 : index
    tpu.barrier barrier_id(%barrier3A_32)
    %mul3A_33 = arith.constant 640 : i32
    %mul3A_34 = arith.muli %arg1, %mul3A_33 : i32
    %add3A_35 = arith.constant 0 : i32
    %add3A_36 = arith.addi %mul3A_34, %add3A_35 : i32
    "tpu.region"() ({
      %run_scoped3A = tpu.sem_alloc : memref<!tpu.dma_semaphore, #tpu.memory_space<semaphore_mem>>
      %dma_start3A = arith.constant 0 : i32
      %dma_start3A_53 = arith.constant 0 : i32
      %dma_start3A_54 = tpu.memref_slice %arg8[%dma_start3A, %dma_start3A_53] : memref<128x128xf32, #tpu.memory_space<vmem>> -> memref<128x128xf32, #tpu.memory_space<vmem>>
      %dma_start3A_55 = arith.constant 0 : i32
      %dma_start3A_56 = tpu.memref_slice %arg9[%add3A_36, %dma_start3A_55] : memref<10240x128xf32, #tpu.memory_space<vmem_shared>> -> memref<128x128xf32, #tpu.memory_space<vmem_shared>>
      %dma_start3A_57 = arith.constant 0 : i32
      %dma_start3A_58 = arith.constant 0 : i32
      %dma_start3A_59 = tpu.memref_slice %arg8[%dma_start3A_57, %dma_start3A_58] : memref<128x128xf32, #tpu.memory_space<vmem>> -> memref<128x128xf32, #tpu.memory_space<vmem>>
      %dma_start3A_60 = arith.constant 0 : i32
      %dma_start3A_61 = tpu.memref_slice %arg9[%add3A_36, %dma_start3A_60] : memref<10240x128xf32, #tpu.memory_space<vmem_shared>> -> memref<128x128xf32, #tpu.memory_space<vmem_shared>>
      tpu.enqueue_dma source(%dma_start3A_61 : memref<128x128xf32, #tpu.memory_space<vmem_shared>>) target(%dma_start3A_59 : memref<128x128xf32, #tpu.memory_space<vmem>>) target_semaphore(%run_scoped3A : memref<!tpu.dma_semaphore, #tpu.memory_space<semaphore_mem>>)
      %dma_wait3A = arith.constant 0 : i32
      %dma_wait3A_62 = arith.constant 0 : i32
      %dma_wait3A_63 = tpu.memref_slice %arg8[%dma_wait3A, %dma_wait3A_62] : memref<128x128xf32, #tpu.memory_space<vmem>> -> memref<128x128xf32, #tpu.memory_space<vmem>>
      %dma_wait3A_64 = arith.constant 0 : i32
      %dma_wait3A_65 = tpu.memref_slice %arg9[%add3A_36, %dma_wait3A_64] : memref<10240x128xf32, #tpu.memory_space<vmem_shared>> -> memref<128x128xf32, #tpu.memory_space<vmem_shared>>
      %dma_wait3A_66 = arith.constant 0 : i32
      %dma_wait3A_67 = arith.constant 0 : i32
      %dma_wait3A_68 = tpu.memref_slice %arg8[%dma_wait3A_66, %dma_wait3A_67] : memref<128x128xf32, #tpu.memory_space<vmem>> -> memref<128x128xf32, #tpu.memory_space<vmem>>
      %dma_wait3A_69 = arith.constant 0 : i32
      %dma_wait3A_70 = tpu.memref_slice %arg9[%add3A_36, %dma_wait3A_69] : memref<10240x128xf32, #tpu.memory_space<vmem_shared>> -> memref<128x128xf32, #tpu.memory_space<vmem_shared>>
      tpu.wait_dma2 semaphore(%run_scoped3A : memref<!tpu.dma_semaphore, #tpu.memory_space<semaphore_mem>>) src(%dma_wait3A_70 : memref<128x128xf32, #tpu.memory_space<vmem_shared>>) dst(%dma_wait3A_68 : memref<128x128xf32, #tpu.memory_space<vmem>>)
      tpu.yield
    }) : () -> ()
    "tpu.region"() ({
      %run_scoped3A = tpu.sem_alloc : memref<!tpu.dma_semaphore, #tpu.memory_space<semaphore_mem>>
      %dma_start3A = arith.constant 0 : i32
      %dma_start3A_53 = arith.constant 0 : i32
      %dma_start3A_54 = tpu.memref_slice %arg8[%dma_start3A, %dma_start3A_53] : memref<128x128xf32, #tpu.memory_space<vmem>> -> memref<128x128xf32, #tpu.memory_space<vmem>>
      %dma_start3A_55 = arith.constant 0 : i32
      %dma_start3A_56 = tpu.memref_slice %arg5[%arg0, %add3A_36, %dma_start3A_55] : memref<2x10240x128xf32, #tpu.memory_space<hbm>> -> memref<1x128x128xf32, #tpu.memory_space<hbm>>
      %dma_start3A_57 = tpu.memref_squeeze %dma_start3A_56 : memref<1x128x128xf32, #tpu.memory_space<hbm>> -> memref<128x128xf32, #tpu.memory_space<hbm>>
      %dma_start3A_58 = arith.constant 0 : i32
      %dma_start3A_59 = tpu.memref_slice %arg5[%arg0, %add3A_36, %dma_start3A_58] : memref<2x10240x128xf32, #tpu.memory_space<hbm>> -> memref<1x128x128xf32, #tpu.memory_space<hbm>>
      %dma_start3A_60 = tpu.memref_squeeze %dma_start3A_59 : memref<1x128x128xf32, #tpu.memory_space<hbm>> -> memref<128x128xf32, #tpu.memory_space<hbm>>
      %dma_start3A_61 = arith.constant 0 : i32
      %dma_start3A_62 = arith.constant 0 : i32
      %dma_start3A_63 = tpu.memref_slice %arg8[%dma_start3A_61, %dma_start3A_62] : memref<128x128xf32, #tpu.memory_space<vmem>> -> memref<128x128xf32, #tpu.memory_space<vmem>>
      tpu.enqueue_dma source(%dma_start3A_63 : memref<128x128xf32, #tpu.memory_space<vmem>>) target(%dma_start3A_60 : memref<128x128xf32, #tpu.memory_space<hbm>>) target_semaphore(%run_scoped3A : memref<!tpu.dma_semaphore, #tpu.memory_space<semaphore_mem>>)
      %dma_wait3A = arith.constant 0 : i32
      %dma_wait3A_64 = arith.constant 0 : i32
      %dma_wait3A_65 = tpu.memref_slice %arg8[%dma_wait3A, %dma_wait3A_64] : memref<128x128xf32, #tpu.memory_space<vmem>> -> memref<128x128xf32, #tpu.memory_space<vmem>>
      %dma_wait3A_66 = arith.constant 0 : i32
      %dma_wait3A_67 = tpu.memref_slice %arg5[%arg0, %add3A_36, %dma_wait3A_66] : memref<2x10240x128xf32, #tpu.memory_space<hbm>> -> memref<1x128x128xf32, #tpu.memory_space<hbm>>
      %dma_wait3A_68 = tpu.memref_squeeze %dma_wait3A_67 : memref<1x128x128xf32, #tpu.memory_space<hbm>> -> memref<128x128xf32, #tpu.memory_space<hbm>>
      %dma_wait3A_69 = arith.constant 0 : i32
      %dma_wait3A_70 = tpu.memref_slice %arg5[%arg0, %add3A_36, %dma_wait3A_69] : memref<2x10240x128xf32, #tpu.memory_space<hbm>> -> memref<1x128x128xf32, #tpu.memory_space<hbm>>
      %dma_wait3A_71 = tpu.memref_squeeze %dma_wait3A_70 : memref<1x128x128xf32, #tpu.memory_space<hbm>> -> memref<128x128xf32, #tpu.memory_space<hbm>>
      %dma_wait3A_72 = arith.constant 0 : i32
      %dma_wait3A_73 = arith.constant 0 : i32
      %dma_wait3A_74 = tpu.memref_slice %arg8[%dma_wait3A_72, %dma_wait3A_73] : memref<128x128xf32, #tpu.memory_space<vmem>> -> memref<128x128xf32, #tpu.memory_space<vmem>>
      tpu.wait_dma2 semaphore(%run_scoped3A : memref<!tpu.dma_semaphore, #tpu.memory_space<semaphore_mem>>) src(%dma_wait3A_74 : memref<128x128xf32, #tpu.memory_space<vmem>>) dst(%dma_wait3A_71 : memref<128x128xf32, #tpu.memory_space<hbm>>)
      tpu.yield
    }) : () -> ()
    %mul3A_37 = arith.constant 640 : i32
    %mul3A_38 = arith.muli %arg1, %mul3A_37 : i32
    %add3A_39 = arith.constant 128 : i32
    %add3A_40 = arith.addi %mul3A_38, %add3A_39 : i32
    "tpu.region"() ({
      %run_scoped3A = tpu.sem_alloc : memref<!tpu.dma_semaphore, #tpu.memory_space<semaphore_mem>>
      %dma_start3A = arith.constant 0 : i32
      %dma_start3A_53 = arith.constant 0 : i32
      %dma_start3A_54 = tpu.memref_slice %arg8[%dma_start3A, %dma_start3A_53] : memref<128x128xf32, #tpu.memory_space<vmem>> -> memref<128x128xf32, #tpu.memory_space<vmem>>
      %dma_start3A_55 = arith.constant 0 : i32
      %dma_start3A_56 = tpu.memref_slice %arg9[%add3A_40, %dma_start3A_55] : memref<10240x128xf32, #tpu.memory_space<vmem_shared>> -> memref<128x128xf32, #tpu.memory_space<vmem_shared>>
      %dma_start3A_57 = arith.constant 0 : i32
      %dma_start3A_58 = arith.constant 0 : i32
      %dma_start3A_59 = tpu.memref_slice %arg8[%dma_start3A_57, %dma_start3A_58] : memref<128x128xf32, #tpu.memory_space<vmem>> -> memref<128x128xf32, #tpu.memory_space<vmem>>
      %dma_start3A_60 = arith.constant 0 : i32
      %dma_start3A_61 = tpu.memref_slice %arg9[%add3A_40, %dma_start3A_60] : memref<10240x128xf32, #tpu.memory_space<vmem_shared>> -> memref<128x128xf32, #tpu.memory_space<vmem_shared>>
      tpu.enqueue_dma source(%dma_start3A_61 : memref<128x128xf32, #tpu.memory_space<vmem_shared>>) target(%dma_start3A_59 : memref<128x128xf32, #tpu.memory_space<vmem>>) target_semaphore(%run_scoped3A : memref<!tpu.dma_semaphore, #tpu.memory_space<semaphore_mem>>)
      %dma_wait3A = arith.constant 0 : i32
      %dma_wait3A_62 = arith.constant 0 : i32
      %dma_wait3A_63 = tpu.memref_slice %arg8[%dma_wait3A, %dma_wait3A_62] : memref<128x128xf32, #tpu.memory_space<vmem>> -> memref<128x128xf32, #tpu.memory_space<vmem>>
      %dma_wait3A_64 = arith.constant 0 : i32
      %dma_wait3A_65 = tpu.memref_slice %arg9[%add3A_40, %dma_wait3A_64] : memref<10240x128xf32, #tpu.memory_space<vmem_shared>> -> memref<128x128xf32, #tpu.memory_space<vmem_shared>>
      %dma_wait3A_66 = arith.constant 0 : i32
      %dma_wait3A_67 = arith.constant 0 : i32
      %dma_wait3A_68 = tpu.memref_slice %arg8[%dma_wait3A_66, %dma_wait3A_67] : memref<128x128xf32, #tpu.memory_space<vmem>> -> memref<128x128xf32, #tpu.memory_space<vmem>>
      %dma_wait3A_69 = arith.constant 0 : i32
      %dma_wait3A_70 = tpu.memref_slice %arg9[%add3A_40, %dma_wait3A_69] : memref<10240x128xf32, #tpu.memory_space<vmem_shared>> -> memref<128x128xf32, #tpu.memory_space<vmem_shared>>
      tpu.wait_dma2 semaphore(%run_scoped3A : memref<!tpu.dma_semaphore, #tpu.memory_space<semaphore_mem>>) src(%dma_wait3A_70 : memref<128x128xf32, #tpu.memory_space<vmem_shared>>) dst(%dma_wait3A_68 : memref<128x128xf32, #tpu.memory_space<vmem>>)
      tpu.yield
    }) : () -> ()
    "tpu.region"() ({
      %run_scoped3A = tpu.sem_alloc : memref<!tpu.dma_semaphore, #tpu.memory_space<semaphore_mem>>
      %dma_start3A = arith.constant 0 : i32
      %dma_start3A_53 = arith.constant 0 : i32
      %dma_start3A_54 = tpu.memref_slice %arg8[%dma_start3A, %dma_start3A_53] : memref<128x128xf32, #tpu.memory_space<vmem>> -> memref<128x128xf32, #tpu.memory_space<vmem>>
      %dma_start3A_55 = arith.constant 0 : i32
      %dma_start3A_56 = tpu.memref_slice %arg5[%arg0, %add3A_40, %dma_start3A_55] : memref<2x10240x128xf32, #tpu.memory_space<hbm>> -> memref<1x128x128xf32, #tpu.memory_space<hbm>>
      %dma_start3A_57 = tpu.memref_squeeze %dma_start3A_56 : memref<1x128x128xf32, #tpu.memory_space<hbm>> -> memref<128x128xf32, #tpu.memory_space<hbm>>
      %dma_start3A_58 = arith.constant 0 : i32
      %dma_start3A_59 = tpu.memref_slice %arg5[%arg0, %add3A_40, %dma_start3A_58] : memref<2x10240x128xf32, #tpu.memory_space<hbm>> -> memref<1x128x128xf32, #tpu.memory_space<hbm>>
      %dma_start3A_60 = tpu.memref_squeeze %dma_start3A_59 : memref<1x128x128xf32, #tpu.memory_space<hbm>> -> memref<128x128xf32, #tpu.memory_space<hbm>>
      %dma_start3A_61 = arith.constant 0 : i32
      %dma_start3A_62 = arith.constant 0 : i32
      %dma_start3A_63 = tpu.memref_slice %arg8[%dma_start3A_61, %dma_start3A_62] : memref<128x128xf32, #tpu.memory_space<vmem>> -> memref<128x128xf32, #tpu.memory_space<vmem>>
      tpu.enqueue_dma source(%dma_start3A_63 : memref<128x128xf32, #tpu.memory_space<vmem>>) target(%dma_start3A_60 : memref<128x128xf32, #tpu.memory_space<hbm>>) target_semaphore(%run_scoped3A : memref<!tpu.dma_semaphore, #tpu.memory_space<semaphore_mem>>)
      %dma_wait3A = arith.constant 0 : i32
      %dma_wait3A_64 = arith.constant 0 : i32
      %dma_wait3A_65 = tpu.memref_slice %arg8[%dma_wait3A, %dma_wait3A_64] : memref<128x128xf32, #tpu.memory_space<vmem>> -> memref<128x128xf32, #tpu.memory_space<vmem>>
      %dma_wait3A_66 = arith.constant 0 : i32
      %dma_wait3A_67 = tpu.memref_slice %arg5[%arg0, %add3A_40, %dma_wait3A_66] : memref<2x10240x128xf32, #tpu.memory_space<hbm>> -> memref<1x128x128xf32, #tpu.memory_space<hbm>>
      %dma_wait3A_68 = tpu.memref_squeeze %dma_wait3A_67 : memref<1x128x128xf32, #tpu.memory_space<hbm>> -> memref<128x128xf32, #tpu.memory_space<hbm>>
      %dma_wait3A_69 = arith.constant 0 : i32
      %dma_wait3A_70 = tpu.memref_slice %arg5[%arg0, %add3A_40, %dma_wait3A_69] : memref<2x10240x128xf32, #tpu.memory_space<hbm>> -> memref<1x128x128xf32, #tpu.memory_space<hbm>>
      %dma_wait3A_71 = tpu.memref_squeeze %dma_wait3A_70 : memref<1x128x128xf32, #tpu.memory_space<hbm>> -> memref<128x128xf32, #tpu.memory_space<hbm>>
      %dma_wait3A_72 = arith.constant 0 : i32
      %dma_wait3A_73 = arith.constant 0 : i32
      %dma_wait3A_74 = tpu.memref_slice %arg8[%dma_wait3A_72, %dma_wait3A_73] : memref<128x128xf32, #tpu.memory_space<vmem>> -> memref<128x128xf32, #tpu.memory_space<vmem>>
      tpu.wait_dma2 semaphore(%run_scoped3A : memref<!tpu.dma_semaphore, #tpu.memory_space<semaphore_mem>>) src(%dma_wait3A_74 : memref<128x128xf32, #tpu.memory_space<vmem>>) dst(%dma_wait3A_71 : memref<128x128xf32, #tpu.memory_space<hbm>>)
      tpu.yield
    }) : () -> ()
    %mul3A_41 = arith.constant 640 : i32
    %mul3A_42 = arith.muli %arg1, %mul3A_41 : i32
    %add3A_43 = arith.constant 256 : i32
    %add3A_44 = arith.addi %mul3A_42, %add3A_43 : i32
    "tpu.region"() ({
      %run_scoped3A = tpu.sem_alloc : memref<!tpu.dma_semaphore, #tpu.memory_space<semaphore_mem>>
      %dma_start3A = arith.constant 0 : i32
      %dma_start3A_53 = arith.constant 0 : i32
      %dma_start3A_54 = tpu.memref_slice %arg8[%dma_start3A, %dma_start3A_53] : memref<128x128xf32, #tpu.memory_space<vmem>> -> memref<128x128xf32, #tpu.memory_space<vmem>>
      %dma_start3A_55 = arith.constant 0 : i32
      %dma_start3A_56 = tpu.memref_slice %arg9[%add3A_44, %dma_start3A_55] : memref<10240x128xf32, #tpu.memory_space<vmem_shared>> -> memref<128x128xf32, #tpu.memory_space<vmem_shared>>
      %dma_start3A_57 = arith.constant 0 : i32
      %dma_start3A_58 = arith.constant 0 : i32
      %dma_start3A_59 = tpu.memref_slice %arg8[%dma_start3A_57, %dma_start3A_58] : memref<128x128xf32, #tpu.memory_space<vmem>> -> memref<128x128xf32, #tpu.memory_space<vmem>>
      %dma_start3A_60 = arith.constant 0 : i32
      %dma_start3A_61 = tpu.memref_slice %arg9[%add3A_44, %dma_start3A_60] : memref<10240x128xf32, #tpu.memory_space<vmem_shared>> -> memref<128x128xf32, #tpu.memory_space<vmem_shared>>
      tpu.enqueue_dma source(%dma_start3A_61 : memref<128x128xf32, #tpu.memory_space<vmem_shared>>) target(%dma_start3A_59 : memref<128x128xf32, #tpu.memory_space<vmem>>) target_semaphore(%run_scoped3A : memref<!tpu.dma_semaphore, #tpu.memory_space<semaphore_mem>>)
      %dma_wait3A = arith.constant 0 : i32
      %dma_wait3A_62 = arith.constant 0 : i32
      %dma_wait3A_63 = tpu.memref_slice %arg8[%dma_wait3A, %dma_wait3A_62] : memref<128x128xf32, #tpu.memory_space<vmem>> -> memref<128x128xf32, #tpu.memory_space<vmem>>
      %dma_wait3A_64 = arith.constant 0 : i32
      %dma_wait3A_65 = tpu.memref_slice %arg9[%add3A_44, %dma_wait3A_64] : memref<10240x128xf32, #tpu.memory_space<vmem_shared>> -> memref<128x128xf32, #tpu.memory_space<vmem_shared>>
      %dma_wait3A_66 = arith.constant 0 : i32
      %dma_wait3A_67 = arith.constant 0 : i32
      %dma_wait3A_68 = tpu.memref_slice %arg8[%dma_wait3A_66, %dma_wait3A_67] : memref<128x128xf32, #tpu.memory_space<vmem>> -> memref<128x128xf32, #tpu.memory_space<vmem>>
      %dma_wait3A_69 = arith.constant 0 : i32
      %dma_wait3A_70 = tpu.memref_slice %arg9[%add3A_44, %dma_wait3A_69] : memref<10240x128xf32, #tpu.memory_space<vmem_shared>> -> memref<128x128xf32, #tpu.memory_space<vmem_shared>>
      tpu.wait_dma2 semaphore(%run_scoped3A : memref<!tpu.dma_semaphore, #tpu.memory_space<semaphore_mem>>) src(%dma_wait3A_70 : memref<128x128xf32, #tpu.memory_space<vmem_shared>>) dst(%dma_wait3A_68 : memref<128x128xf32, #tpu.memory_space<vmem>>)
      tpu.yield
    }) : () -> ()
    "tpu.region"() ({
      %run_scoped3A = tpu.sem_alloc : memref<!tpu.dma_semaphore, #tpu.memory_space<semaphore_mem>>
      %dma_start3A = arith.constant 0 : i32
      %dma_start3A_53 = arith.constant 0 : i32
      %dma_start3A_54 = tpu.memref_slice %arg8[%dma_start3A, %dma_start3A_53] : memref<128x128xf32, #tpu.memory_space<vmem>> -> memref<128x128xf32, #tpu.memory_space<vmem>>
      %dma_start3A_55 = arith.constant 0 : i32
      %dma_start3A_56 = tpu.memref_slice %arg5[%arg0, %add3A_44, %dma_start3A_55] : memref<2x10240x128xf32, #tpu.memory_space<hbm>> -> memref<1x128x128xf32, #tpu.memory_space<hbm>>
      %dma_start3A_57 = tpu.memref_squeeze %dma_start3A_56 : memref<1x128x128xf32, #tpu.memory_space<hbm>> -> memref<128x128xf32, #tpu.memory_space<hbm>>
      %dma_start3A_58 = arith.constant 0 : i32
      %dma_start3A_59 = tpu.memref_slice %arg5[%arg0, %add3A_44, %dma_start3A_58] : memref<2x10240x128xf32, #tpu.memory_space<hbm>> -> memref<1x128x128xf32, #tpu.memory_space<hbm>>
      %dma_start3A_60 = tpu.memref_squeeze %dma_start3A_59 : memref<1x128x128xf32, #tpu.memory_space<hbm>> -> memref<128x128xf32, #tpu.memory_space<hbm>>
      %dma_start3A_61 = arith.constant 0 : i32
      %dma_start3A_62 = arith.constant 0 : i32
      %dma_start3A_63 = tpu.memref_slice %arg8[%dma_start3A_61, %dma_start3A_62] : memref<128x128xf32, #tpu.memory_space<vmem>> -> memref<128x128xf32, #tpu.memory_space<vmem>>
      tpu.enqueue_dma source(%dma_start3A_63 : memref<128x128xf32, #tpu.memory_space<vmem>>) target(%dma_start3A_60 : memref<128x128xf32, #tpu.memory_space<hbm>>) target_semaphore(%run_scoped3A : memref<!tpu.dma_semaphore, #tpu.memory_space<semaphore_mem>>)
      %dma_wait3A = arith.constant 0 : i32
      %dma_wait3A_64 = arith.constant 0 : i32
      %dma_wait3A_65 = tpu.memref_slice %arg8[%dma_wait3A, %dma_wait3A_64] : memref<128x128xf32, #tpu.memory_space<vmem>> -> memref<128x128xf32, #tpu.memory_space<vmem>>
      %dma_wait3A_66 = arith.constant 0 : i32
      %dma_wait3A_67 = tpu.memref_slice %arg5[%arg0, %add3A_44, %dma_wait3A_66] : memref<2x10240x128xf32, #tpu.memory_space<hbm>> -> memref<1x128x128xf32, #tpu.memory_space<hbm>>
      %dma_wait3A_68 = tpu.memref_squeeze %dma_wait3A_67 : memref<1x128x128xf32, #tpu.memory_space<hbm>> -> memref<128x128xf32, #tpu.memory_space<hbm>>
      %dma_wait3A_69 = arith.constant 0 : i32
      %dma_wait3A_70 = tpu.memref_slice %arg5[%arg0, %add3A_44, %dma_wait3A_69] : memref<2x10240x128xf32, #tpu.memory_space<hbm>> -> memref<1x128x128xf32, #tpu.memory_space<hbm>>
      %dma_wait3A_71 = tpu.memref_squeeze %dma_wait3A_70 : memref<1x128x128xf32, #tpu.memory_space<hbm>> -> memref<128x128xf32, #tpu.memory_space<hbm>>
      %dma_wait3A_72 = arith.constant 0 : i32
      %dma_wait3A_73 = arith.constant 0 : i32
      %dma_wait3A_74 = tpu.memref_slice %arg8[%dma_wait3A_72, %dma_wait3A_73] : memref<128x128xf32, #tpu.memory_space<vmem>> -> memref<128x128xf32, #tpu.memory_space<vmem>>
      tpu.wait_dma2 semaphore(%run_scoped3A : memref<!tpu.dma_semaphore, #tpu.memory_space<semaphore_mem>>) src(%dma_wait3A_74 : memref<128x128xf32, #tpu.memory_space<vmem>>) dst(%dma_wait3A_71 : memref<128x128xf32, #tpu.memory_space<hbm>>)
      tpu.yield
    }) : () -> ()
    %mul3A_45 = arith.constant 640 : i32
    %mul3A_46 = arith.muli %arg1, %mul3A_45 : i32
    %add3A_47 = arith.constant 384 : i32
    %add3A_48 = arith.addi %mul3A_46, %add3A_47 : i32
    "tpu.region"() ({
      %run_scoped3A = tpu.sem_alloc : memref<!tpu.dma_semaphore, #tpu.memory_space<semaphore_mem>>
      %dma_start3A = arith.constant 0 : i32
      %dma_start3A_53 = arith.constant 0 : i32
      %dma_start3A_54 = tpu.memref_slice %arg8[%dma_start3A, %dma_start3A_53] : memref<128x128xf32, #tpu.memory_space<vmem>> -> memref<128x128xf32, #tpu.memory_space<vmem>>
      %dma_start3A_55 = arith.constant 0 : i32
      %dma_start3A_56 = tpu.memref_slice %arg9[%add3A_48, %dma_start3A_55] : memref<10240x128xf32, #tpu.memory_space<vmem_shared>> -> memref<128x128xf32, #tpu.memory_space<vmem_shared>>
      %dma_start3A_57 = arith.constant 0 : i32
      %dma_start3A_58 = arith.constant 0 : i32
      %dma_start3A_59 = tpu.memref_slice %arg8[%dma_start3A_57, %dma_start3A_58] : memref<128x128xf32, #tpu.memory_space<vmem>> -> memref<128x128xf32, #tpu.memory_space<vmem>>
      %dma_start3A_60 = arith.constant 0 : i32
      %dma_start3A_61 = tpu.memref_slice %arg9[%add3A_48, %dma_start3A_60] : memref<10240x128xf32, #tpu.memory_space<vmem_shared>> -> memref<128x128xf32, #tpu.memory_space<vmem_shared>>
      tpu.enqueue_dma source(%dma_start3A_61 : memref<128x128xf32, #tpu.memory_space<vmem_shared>>) target(%dma_start3A_59 : memref<128x128xf32, #tpu.memory_space<vmem>>) target_semaphore(%run_scoped3A : memref<!tpu.dma_semaphore, #tpu.memory_space<semaphore_mem>>)
      %dma_wait3A = arith.constant 0 : i32
      %dma_wait3A_62 = arith.constant 0 : i32
      %dma_wait3A_63 = tpu.memref_slice %arg8[%dma_wait3A, %dma_wait3A_62] : memref<128x128xf32, #tpu.memory_space<vmem>> -> memref<128x128xf32, #tpu.memory_space<vmem>>
      %dma_wait3A_64 = arith.constant 0 : i32
      %dma_wait3A_65 = tpu.memref_slice %arg9[%add3A_48, %dma_wait3A_64] : memref<10240x128xf32, #tpu.memory_space<vmem_shared>> -> memref<128x128xf32, #tpu.memory_space<vmem_shared>>
      %dma_wait3A_66 = arith.constant 0 : i32
      %dma_wait3A_67 = arith.constant 0 : i32
      %dma_wait3A_68 = tpu.memref_slice %arg8[%dma_wait3A_66, %dma_wait3A_67] : memref<128x128xf32, #tpu.memory_space<vmem>> -> memref<128x128xf32, #tpu.memory_space<vmem>>
      %dma_wait3A_69 = arith.constant 0 : i32
      %dma_wait3A_70 = tpu.memref_slice %arg9[%add3A_48, %dma_wait3A_69] : memref<10240x128xf32, #tpu.memory_space<vmem_shared>> -> memref<128x128xf32, #tpu.memory_space<vmem_shared>>
      tpu.wait_dma2 semaphore(%run_scoped3A : memref<!tpu.dma_semaphore, #tpu.memory_space<semaphore_mem>>) src(%dma_wait3A_70 : memref<128x128xf32, #tpu.memory_space<vmem_shared>>) dst(%dma_wait3A_68 : memref<128x128xf32, #tpu.memory_space<vmem>>)
      tpu.yield
    }) : () -> ()
    "tpu.region"() ({
      %run_scoped3A = tpu.sem_alloc : memref<!tpu.dma_semaphore, #tpu.memory_space<semaphore_mem>>
      %dma_start3A = arith.constant 0 : i32
      %dma_start3A_53 = arith.constant 0 : i32
      %dma_start3A_54 = tpu.memref_slice %arg8[%dma_start3A, %dma_start3A_53] : memref<128x128xf32, #tpu.memory_space<vmem>> -> memref<128x128xf32, #tpu.memory_space<vmem>>
      %dma_start3A_55 = arith.constant 0 : i32
      %dma_start3A_56 = tpu.memref_slice %arg5[%arg0, %add3A_48, %dma_start3A_55] : memref<2x10240x128xf32, #tpu.memory_space<hbm>> -> memref<1x128x128xf32, #tpu.memory_space<hbm>>
      %dma_start3A_57 = tpu.memref_squeeze %dma_start3A_56 : memref<1x128x128xf32, #tpu.memory_space<hbm>> -> memref<128x128xf32, #tpu.memory_space<hbm>>
      %dma_start3A_58 = arith.constant 0 : i32
      %dma_start3A_59 = tpu.memref_slice %arg5[%arg0, %add3A_48, %dma_start3A_58] : memref<2x10240x128xf32, #tpu.memory_space<hbm>> -> memref<1x128x128xf32, #tpu.memory_space<hbm>>
      %dma_start3A_60 = tpu.memref_squeeze %dma_start3A_59 : memref<1x128x128xf32, #tpu.memory_space<hbm>> -> memref<128x128xf32, #tpu.memory_space<hbm>>
      %dma_start3A_61 = arith.constant 0 : i32
      %dma_start3A_62 = arith.constant 0 : i32
      %dma_start3A_63 = tpu.memref_slice %arg8[%dma_start3A_61, %dma_start3A_62] : memref<128x128xf32, #tpu.memory_space<vmem>> -> memref<128x128xf32, #tpu.memory_space<vmem>>
      tpu.enqueue_dma source(%dma_start3A_63 : memref<128x128xf32, #tpu.memory_space<vmem>>) target(%dma_start3A_60 : memref<128x128xf32, #tpu.memory_space<hbm>>) target_semaphore(%run_scoped3A : memref<!tpu.dma_semaphore, #tpu.memory_space<semaphore_mem>>)
      %dma_wait3A = arith.constant 0 : i32
      %dma_wait3A_64 = arith.constant 0 : i32
      %dma_wait3A_65 = tpu.memref_slice %arg8[%dma_wait3A, %dma_wait3A_64] : memref<128x128xf32, #tpu.memory_space<vmem>> -> memref<128x128xf32, #tpu.memory_space<vmem>>
      %dma_wait3A_66 = arith.constant 0 : i32
      %dma_wait3A_67 = tpu.memref_slice %arg5[%arg0, %add3A_48, %dma_wait3A_66] : memref<2x10240x128xf32, #tpu.memory_space<hbm>> -> memref<1x128x128xf32, #tpu.memory_space<hbm>>
      %dma_wait3A_68 = tpu.memref_squeeze %dma_wait3A_67 : memref<1x128x128xf32, #tpu.memory_space<hbm>> -> memref<128x128xf32, #tpu.memory_space<hbm>>
      %dma_wait3A_69 = arith.constant 0 : i32
      %dma_wait3A_70 = tpu.memref_slice %arg5[%arg0, %add3A_48, %dma_wait3A_69] : memref<2x10240x128xf32, #tpu.memory_space<hbm>> -> memref<1x128x128xf32, #tpu.memory_space<hbm>>
      %dma_wait3A_71 = tpu.memref_squeeze %dma_wait3A_70 : memref<1x128x128xf32, #tpu.memory_space<hbm>> -> memref<128x128xf32, #tpu.memory_space<hbm>>
      %dma_wait3A_72 = arith.constant 0 : i32
      %dma_wait3A_73 = arith.constant 0 : i32
      %dma_wait3A_74 = tpu.memref_slice %arg8[%dma_wait3A_72, %dma_wait3A_73] : memref<128x128xf32, #tpu.memory_space<vmem>> -> memref<128x128xf32, #tpu.memory_space<vmem>>
      tpu.wait_dma2 semaphore(%run_scoped3A : memref<!tpu.dma_semaphore, #tpu.memory_space<semaphore_mem>>) src(%dma_wait3A_74 : memref<128x128xf32, #tpu.memory_space<vmem>>) dst(%dma_wait3A_71 : memref<128x128xf32, #tpu.memory_space<hbm>>)
      tpu.yield
    }) : () -> ()
    %mul3A_49 = arith.constant 640 : i32
    %mul3A_50 = arith.muli %arg1, %mul3A_49 : i32
    %add3A_51 = arith.constant 512 : i32
    %add3A_52 = arith.addi %mul3A_50, %add3A_51 : i32
    "tpu.region"() ({
      %run_scoped3A = tpu.sem_alloc : memref<!tpu.dma_semaphore, #tpu.memory_space<semaphore_mem>>
      %dma_start3A = arith.constant 0 : i32
      %dma_start3A_53 = arith.constant 0 : i32
      %dma_start3A_54 = tpu.memref_slice %arg8[%dma_start3A, %dma_start3A_53] : memref<128x128xf32, #tpu.memory_space<vmem>> -> memref<128x128xf32, #tpu.memory_space<vmem>>
      %dma_start3A_55 = arith.constant 0 : i32
      %dma_start3A_56 = tpu.memref_slice %arg9[%add3A_52, %dma_start3A_55] : memref<10240x128xf32, #tpu.memory_space<vmem_shared>> -> memref<128x128xf32, #tpu.memory_space<vmem_shared>>
      %dma_start3A_57 = arith.constant 0 : i32
      %dma_start3A_58 = arith.constant 0 : i32
      %dma_start3A_59 = tpu.memref_slice %arg8[%dma_start3A_57, %dma_start3A_58] : memref<128x128xf32, #tpu.memory_space<vmem>> -> memref<128x128xf32, #tpu.memory_space<vmem>>
      %dma_start3A_60 = arith.constant 0 : i32
      %dma_start3A_61 = tpu.memref_slice %arg9[%add3A_52, %dma_start3A_60] : memref<10240x128xf32, #tpu.memory_space<vmem_shared>> -> memref<128x128xf32, #tpu.memory_space<vmem_shared>>
      tpu.enqueue_dma source(%dma_start3A_61 : memref<128x128xf32, #tpu.memory_space<vmem_shared>>) target(%dma_start3A_59 : memref<128x128xf32, #tpu.memory_space<vmem>>) target_semaphore(%run_scoped3A : memref<!tpu.dma_semaphore, #tpu.memory_space<semaphore_mem>>)
      %dma_wait3A = arith.constant 0 : i32
      %dma_wait3A_62 = arith.constant 0 : i32
      %dma_wait3A_63 = tpu.memref_slice %arg8[%dma_wait3A, %dma_wait3A_62] : memref<128x128xf32, #tpu.memory_space<vmem>> -> memref<128x128xf32, #tpu.memory_space<vmem>>
      %dma_wait3A_64 = arith.constant 0 : i32
      %dma_wait3A_65 = tpu.memref_slice %arg9[%add3A_52, %dma_wait3A_64] : memref<10240x128xf32, #tpu.memory_space<vmem_shared>> -> memref<128x128xf32, #tpu.memory_space<vmem_shared>>
      %dma_wait3A_66 = arith.constant 0 : i32
      %dma_wait3A_67 = arith.constant 0 : i32
      %dma_wait3A_68 = tpu.memref_slice %arg8[%dma_wait3A_66, %dma_wait3A_67] : memref<128x128xf32, #tpu.memory_space<vmem>> -> memref<128x128xf32, #tpu.memory_space<vmem>>
      %dma_wait3A_69 = arith.constant 0 : i32
      %dma_wait3A_70 = tpu.memref_slice %arg9[%add3A_52, %dma_wait3A_69] : memref<10240x128xf32, #tpu.memory_space<vmem_shared>> -> memref<128x128xf32, #tpu.memory_space<vmem_shared>>
      tpu.wait_dma2 semaphore(%run_scoped3A : memref<!tpu.dma_semaphore, #tpu.memory_space<semaphore_mem>>) src(%dma_wait3A_70 : memref<128x128xf32, #tpu.memory_space<vmem_shared>>) dst(%dma_wait3A_68 : memref<128x128xf32, #tpu.memory_space<vmem>>)
      tpu.yield
    }) : () -> ()
    "tpu.region"() ({
      %run_scoped3A = tpu.sem_alloc : memref<!tpu.dma_semaphore, #tpu.memory_space<semaphore_mem>>
      %dma_start3A = arith.constant 0 : i32
      %dma_start3A_53 = arith.constant 0 : i32
      %dma_start3A_54 = tpu.memref_slice %arg8[%dma_start3A, %dma_start3A_53] : memref<128x128xf32, #tpu.memory_space<vmem>> -> memref<128x128xf32, #tpu.memory_space<vmem>>
      %dma_start3A_55 = arith.constant 0 : i32
      %dma_start3A_56 = tpu.memref_slice %arg5[%arg0, %add3A_52, %dma_start3A_55] : memref<2x10240x128xf32, #tpu.memory_space<hbm>> -> memref<1x128x128xf32, #tpu.memory_space<hbm>>
      %dma_start3A_57 = tpu.memref_squeeze %dma_start3A_56 : memref<1x128x128xf32, #tpu.memory_space<hbm>> -> memref<128x128xf32, #tpu.memory_space<hbm>>
      %dma_start3A_58 = arith.constant 0 : i32
      %dma_start3A_59 = tpu.memref_slice %arg5[%arg0, %add3A_52, %dma_start3A_58] : memref<2x10240x128xf32, #tpu.memory_space<hbm>> -> memref<1x128x128xf32, #tpu.memory_space<hbm>>
      %dma_start3A_60 = tpu.memref_squeeze %dma_start3A_59 : memref<1x128x128xf32, #tpu.memory_space<hbm>> -> memref<128x128xf32, #tpu.memory_space<hbm>>
      %dma_start3A_61 = arith.constant 0 : i32
      %dma_start3A_62 = arith.constant 0 : i32
      %dma_start3A_63 = tpu.memref_slice %arg8[%dma_start3A_61, %dma_start3A_62] : memref<128x128xf32, #tpu.memory_space<vmem>> -> memref<128x128xf32, #tpu.memory_space<vmem>>
      tpu.enqueue_dma source(%dma_start3A_63 : memref<128x128xf32, #tpu.memory_space<vmem>>) target(%dma_start3A_60 : memref<128x128xf32, #tpu.memory_space<hbm>>) target_semaphore(%run_scoped3A : memref<!tpu.dma_semaphore, #tpu.memory_space<semaphore_mem>>)
      %dma_wait3A = arith.constant 0 : i32
      %dma_wait3A_64 = arith.constant 0 : i32
      %dma_wait3A_65 = tpu.memref_slice %arg8[%dma_wait3A, %dma_wait3A_64] : memref<128x128xf32, #tpu.memory_space<vmem>> -> memref<128x128xf32, #tpu.memory_space<vmem>>
      %dma_wait3A_66 = arith.constant 0 : i32
      %dma_wait3A_67 = tpu.memref_slice %arg5[%arg0, %add3A_52, %dma_wait3A_66] : memref<2x10240x128xf32, #tpu.memory_space<hbm>> -> memref<1x128x128xf32, #tpu.memory_space<hbm>>
      %dma_wait3A_68 = tpu.memref_squeeze %dma_wait3A_67 : memref<1x128x128xf32, #tpu.memory_space<hbm>> -> memref<128x128xf32, #tpu.memory_space<hbm>>
      %dma_wait3A_69 = arith.constant 0 : i32
      %dma_wait3A_70 = tpu.memref_slice %arg5[%arg0, %add3A_52, %dma_wait3A_69] : memref<2x10240x128xf32, #tpu.memory_space<hbm>> -> memref<1x128x128xf32, #tpu.memory_space<hbm>>
      %dma_wait3A_71 = tpu.memref_squeeze %dma_wait3A_70 : memref<1x128x128xf32, #tpu.memory_space<hbm>> -> memref<128x128xf32, #tpu.memory_space<hbm>>
      %dma_wait3A_72 = arith.constant 0 : i32
      %dma_wait3A_73 = arith.constant 0 : i32
      %dma_wait3A_74 = tpu.memref_slice %arg8[%dma_wait3A_72, %dma_wait3A_73] : memref<128x128xf32, #tpu.memory_space<vmem>> -> memref<128x128xf32, #tpu.memory_space<vmem>>
      tpu.wait_dma2 semaphore(%run_scoped3A : memref<!tpu.dma_semaphore, #tpu.memory_space<semaphore_mem>>) src(%dma_wait3A_74 : memref<128x128xf32, #tpu.memory_space<vmem>>) dst(%dma_wait3A_71 : memref<128x128xf32, #tpu.memory_space<hbm>>)
      tpu.yield
    }) : () -> ()
    return
  }
}

module attributes {stable_mosaic.version = 14 : i64} {
  func.func @_mm_body(%arg0: i32, %arg1: memref<2000x128xf32, #tpu.memory_space<vmem>>, %arg2: memref<128x128xf32, #tpu.memory_space<vmem>>, %arg3: memref<2000x128xf32, #tpu.memory_space<vmem>>) attributes {dimension_semantics = [#tpu.dimension_semantics<arbitrary>], iteration_bounds = array<i64: 5>, scalar_prefetch = 0 : i64, scratch_operands = 0 : i64, tpu.core_type = #tpu.core_type<tc>, window_params = [{transform_indices = @transform_0, window_bounds = array<i64: 2000, 128>}, {pipeline_mode = #tpu.pipeline_mode<synchronous>, transform_indices = @transform_1, window_bounds = array<i64: 128, 128>}, {transform_indices = @transform_2, window_bounds = array<i64: 2000, 128>}]} {
    %get3A = arith.constant 0 : index
    %get3A_0 = arith.constant 0 : index
    %get3A_1 = vector.load %arg1[%get3A, %get3A_0] : memref<2000x128xf32, #tpu.memory_space<vmem>>, vector<2000x128xf32>
    %get3A_2 = arith.constant 0 : index
    %get3A_3 = arith.constant 0 : index
    %get3A_4 = vector.load %arg2[%get3A_2, %get3A_3] : memref<128x128xf32, #tpu.memory_space<vmem>>, vector<128x128xf32>
    %dot_general3A = arith.constant dense<0.000000e+00> : vector<2000x128xf32>
    %dot_general3A_5 = tpu.matmul %get3A_1, %get3A_4, %dot_general3A {dimension_numbers = #tpu.dot_dimension_numbers<[1], [0], [0], [1], [0, 0, 1, 1], [], []>, transpose_lhs_hint = false} : vector<2000x128xf32>, vector<128x128xf32>, vector<2000x128xf32> -> vector<2000x128xf32>
    %swap3A = arith.constant 0 : index
    %swap3A_6 = arith.constant 0 : index
    %swap3A_7 = vector.load %arg3[%swap3A, %swap3A_6] : memref<2000x128xf32, #tpu.memory_space<vmem>>, vector<2000x128xf32>
    tpu.vector_store %arg3[%swap3A, %swap3A_6], %dot_general3A_5 {strides = array<i32>} : memref<2000x128xf32, #tpu.memory_space<vmem>>, vector<2000x128xf32>,
    return
  }
  func.func @transform_0(%arg0: i32) -> (i32, i32) {
    %c0_i32 = arith.constant 0 : i32
    %c0_i32_0 = arith.constant 0 : i32
    return %arg0, %c0_i32 : i32, i32
  }
  func.func @transform_1(%arg0: i32) -> (i32, i32) {
    %c0_i32 = arith.constant 0 : i32
    %c0_i32_0 = arith.constant 0 : i32
    %c0_i32_1 = arith.constant 0 : i32
    return %c0_i32, %c0_i32_0 : i32, i32
  }
  func.func @transform_2(%arg0: i32) -> (i32, i32) {
    %c0_i32 = arith.constant 0 : i32
    %c0_i32_0 = arith.constant 0 : i32
    return %arg0, %c0_i32 : i32, i32
  }
}

module attributes {stable_mosaic.version = 14 : i64} {
  func.func @_l2_body(%arg0: i32, %arg1: memref<2x2000x128xf32, #tpu.memory_space<vmem>>, %arg2: memref<128x128xf32, #tpu.memory_space<vmem>>, %arg3: memref<2000x128xbf16, #tpu.memory_space<vmem>>, %arg4: memref<2000x128xf32, #tpu.memory_space<vmem>>) attributes {dimension_semantics = [#tpu.dimension_semantics<arbitrary>], iteration_bounds = array<i64: 5>, scalar_prefetch = 0 : i64, scratch_operands = 0 : i64, tpu.core_type = #tpu.core_type<tc>, window_params = [{transform_indices = @transform_0, window_bounds = array<i64: 2, 2000, 128>}, {pipeline_mode = #tpu.pipeline_mode<synchronous>, transform_indices = @transform_1, window_bounds = array<i64: 128, 128>}, {transform_indices = @transform_2, window_bounds = array<i64: 2000, 128>}, {transform_indices = @transform_3, window_bounds = array<i64: 2000, 128>}]} {
    %get3A = arith.constant 0 : index
    %get3A_0 = arith.constant 0 : index
    %get3A_1 = arith.constant 0 : index
    %get3A_2 = vector.load %arg1[%get3A, %get3A_0, %get3A_1] : memref<2x2000x128xf32, #tpu.memory_space<vmem>>, vector<1x2000x128xf32>
    %get3A_3 = vector.shape_cast %get3A_2 : vector<1x2000x128xf32> to vector<2000x128xf32>
    %get3A_4 = arith.constant 1 : index
    %get3A_5 = arith.constant 0 : index
    %get3A_6 = arith.constant 0 : index
    %get3A_7 = vector.load %arg1[%get3A_4, %get3A_5, %get3A_6] : memref<2x2000x128xf32, #tpu.memory_space<vmem>>, vector<1x2000x128xf32>
    %get3A_8 = vector.shape_cast %get3A_7 : vector<1x2000x128xf32> to vector<2000x128xf32>
    %add3A = arith.addf %get3A_3, %get3A_8 : vector<2000x128xf32>
    %tanh3A = math.tanh %add3A : vector<2000x128xf32>
    %convert_element_type3A = arith.truncf %tanh3A : vector<2000x128xf32> to vector<2000x128xbf16>
    %swap3A = arith.constant 0 : index
    %swap3A_9 = arith.constant 0 : index
    %swap3A_10 = vector.load %arg3[%swap3A, %swap3A_9] : memref<2000x128xbf16, #tpu.memory_space<vmem>>, vector<2000x128xbf16>
    tpu.vector_store %arg3[%swap3A, %swap3A_9], %convert_element_type3A {strides = array<i32>} : memref<2000x128xbf16, #tpu.memory_space<vmem>>, vector<2000x128xbf16>,
    %get3A_11 = arith.constant 0 : index
    %get3A_12 = arith.constant 0 : index
    %get3A_13 = vector.load %arg2[%get3A_11, %get3A_12] : memref<128x128xf32, #tpu.memory_space<vmem>>, vector<128x128xf32>
    %dot_general3A = arith.constant dense<0.000000e+00> : vector<2000x128xf32>
    %dot_general3A_14 = tpu.matmul %tanh3A, %get3A_13, %dot_general3A {dimension_numbers = #tpu.dot_dimension_numbers<[1], [0], [0], [1], [0, 0, 1, 1], [], []>, transpose_lhs_hint = false} : vector<2000x128xf32>, vector<128x128xf32>, vector<2000x128xf32> -> vector<2000x128xf32>
    %swap3A_15 = arith.constant 0 : index
    %swap3A_16 = arith.constant 0 : index
    %swap3A_17 = vector.load %arg4[%swap3A_15, %swap3A_16] : memref<2000x128xf32, #tpu.memory_space<vmem>>, vector<2000x128xf32>
    tpu.vector_store %arg4[%swap3A_15, %swap3A_16], %dot_general3A_14 {strides = array<i32>} : memref<2000x128xf32, #tpu.memory_space<vmem>>, vector<2000x128xf32>,
    return
  }
  func.func @transform_0(%arg0: i32) -> (i32, i32, i32) {
    %c0_i32 = arith.constant 0 : i32
    %c0_i32_0 = arith.constant 0 : i32
    %c0_i32_1 = arith.constant 0 : i32
    return %c0_i32, %arg0, %c0_i32_0 : i32, i32, i32
  }
  func.func @transform_1(%arg0: i32) -> (i32, i32) {
    %c0_i32 = arith.constant 0 : i32
    %c0_i32_0 = arith.constant 0 : i32
    %c0_i32_1 = arith.constant 0 : i32
    return %c0_i32, %c0_i32_0 : i32, i32
  }
  func.func @transform_2(%arg0: i32) -> (i32, i32) {
    %c0_i32 = arith.constant 0 : i32
    %c0_i32_0 = arith.constant 0 : i32
    return %arg0, %c0_i32 : i32, i32
  }
  func.func @transform_3(%arg0: i32) -> (i32, i32) {
    %c0_i32 = arith.constant 0 : i32
    %c0_i32_0 = arith.constant 0 : i32
    return %arg0, %c0_i32 : i32, i32
  }
}

module attributes {stable_mosaic.version = 14 : i64} {
  func.func @_head_body(%arg0: i32, %arg1: i32, %arg2: memref<2x512x128xf32, #tpu.memory_space<vmem>>, %arg3: memref<512x128xbf16, #tpu.memory_space<vmem>>, %arg4: memref<2048x128xbf16, #tpu.memory_space<vmem>>, %arg5: memref<2048x128xbf16, #tpu.memory_space<vmem>>, %arg6: memref<1x2048xf32, #tpu.memory_space<vmem>>, %arg7: memref<512x2048xf32, #tpu.memory_space<vmem>>) attributes {dimension_semantics = [#tpu.dimension_semantics<arbitrary>, #tpu.dimension_semantics<arbitrary>], iteration_bounds = array<i64: 20, 5>, scalar_prefetch = 0 : i64, scratch_operands = 0 : i64, tpu.core_type = #tpu.core_type<tc>, window_params = [{transform_indices = @transform_0, window_bounds = array<i64: 2, 512, 128>}, {transform_indices = @transform_1, window_bounds = array<i64: 512, 128>}, {transform_indices = @transform_2, window_bounds = array<i64: 2048, 128>}, {transform_indices = @transform_3, window_bounds = array<i64: 2048, 128>}, {transform_indices = @transform_4, window_bounds = array<i64: 1, 2048>}, {transform_indices = @transform_5, window_bounds = array<i64: 512, 2048>}]} {
    %get3A = arith.constant 0 : index
    %get3A_0 = arith.constant 0 : index
    %get3A_1 = arith.constant 0 : index
    %get3A_2 = vector.load %arg2[%get3A, %get3A_0, %get3A_1] : memref<2x512x128xf32, #tpu.memory_space<vmem>>, vector<1x512x128xf32>
    %get3A_3 = vector.shape_cast %get3A_2 : vector<1x512x128xf32> to vector<512x128xf32>
    %get3A_4 = arith.constant 1 : index
    %get3A_5 = arith.constant 0 : index
    %get3A_6 = arith.constant 0 : index
    %get3A_7 = vector.load %arg2[%get3A_4, %get3A_5, %get3A_6] : memref<2x512x128xf32, #tpu.memory_space<vmem>>, vector<1x512x128xf32>
    %get3A_8 = vector.shape_cast %get3A_7 : vector<1x512x128xf32> to vector<512x128xf32>
    %add3A = arith.addf %get3A_3, %get3A_8 : vector<512x128xf32>
    %tanh3A = math.tanh %add3A : vector<512x128xf32>
    %convert_element_type3A = arith.truncf %tanh3A : vector<512x128xf32> to vector<512x128xbf16>
    %get3A_9 = arith.constant 0 : index
    %get3A_10 = arith.constant 0 : index
    %get3A_11 = vector.load %arg3[%get3A_9, %get3A_10] : memref<512x128xbf16, #tpu.memory_space<vmem>>, vector<512x128xbf16>
    %get3A_12 = arith.constant 0 : index
    %get3A_13 = arith.constant 0 : index
    %get3A_14 = vector.load %arg4[%get3A_12, %get3A_13] : memref<2048x128xbf16, #tpu.memory_space<vmem>>, vector<2048x128xbf16>
    %dot_general3A = arith.constant dense<0.000000e+00> : vector<512x2048xf32>
    %dot_general3A_15 = tpu.matmul %get3A_11, %get3A_14, %dot_general3A {dimension_numbers = #tpu.dot_dimension_numbers<[1], [1], [0], [0], [0, 0, 1, 0], [], []>, transpose_lhs_hint = false} : vector<512x128xbf16>, vector<2048x128xbf16>, vector<512x2048xf32> -> vector<512x2048xf32>
    %get3A_16 = arith.constant 0 : index
    %get3A_17 = arith.constant 0 : index
    %get3A_18 = vector.load %arg5[%get3A_16, %get3A_17] : memref<2048x128xbf16, #tpu.memory_space<vmem>>, vector<2048x128xbf16>
    %dot_general3A_19 = arith.constant dense<0.000000e+00> : vector<512x2048xf32>
    %dot_general3A_20 = tpu.matmul %convert_element_type3A, %get3A_18, %dot_general3A_19 {dimension_numbers = #tpu.dot_dimension_numbers<[1], [1], [0], [0], [0, 0, 1, 0], [], []>, transpose_lhs_hint = false} : vector<512x128xbf16>, vector<2048x128xbf16>, vector<512x2048xf32> -> vector<512x2048xf32>
    %add3A_21 = arith.addf %dot_general3A_15, %dot_general3A_20 : vector<512x2048xf32>
    %get3A_22 = arith.constant 0 : index
    %get3A_23 = arith.constant 0 : index
    %get3A_24 = vector.load %arg6[%get3A_22, %get3A_23] : memref<1x2048xf32, #tpu.memory_space<vmem>>, vector<1x2048xf32>
    %add3A_25 = vector.broadcast %get3A_24 : vector<1x2048xf32> to vector<512x2048xf32>
    %add3A_26 = arith.addf %add3A_21, %add3A_25 : vector<512x2048xf32>
    %swap3A = arith.constant 0 : index
    %swap3A_27 = arith.constant 0 : index
    %swap3A_28 = vector.load %arg7[%swap3A, %swap3A_27] : memref<512x2048xf32, #tpu.memory_space<vmem>>, vector<512x2048xf32>
    tpu.vector_store %arg7[%swap3A, %swap3A_27], %add3A_26 {strides = array<i32>} : memref<512x2048xf32, #tpu.memory_space<vmem>>, vector<512x2048xf32>,
    return
  }
  func.func @transform_0(%arg0: i32, %arg1: i32) -> (i32, i32, i32) {
    %c0_i32 = arith.constant 0 : i32
    %c0_i32_0 = arith.constant 0 : i32
    %c0_i32_1 = arith.constant 0 : i32
    return %c0_i32, %arg0, %c0_i32_0 : i32, i32, i32
  }
  func.func @transform_1(%arg0: i32, %arg1: i32) -> (i32, i32) {
    %c0_i32 = arith.constant 0 : i32
    %c0_i32_0 = arith.constant 0 : i32
    return %arg0, %c0_i32 : i32, i32
  }
  func.func @transform_2(%arg0: i32, %arg1: i32) -> (i32, i32) {
    %c0_i32 = arith.constant 0 : i32
    %c0_i32_0 = arith.constant 0 : i32
    return %arg1, %c0_i32 : i32, i32
  }
  func.func @transform_3(%arg0: i32, %arg1: i32) -> (i32, i32) {
    %c0_i32 = arith.constant 0 : i32
    %c0_i32_0 = arith.constant 0 : i32
    return %arg1, %c0_i32 : i32, i32
  }
  func.func @transform_4(%arg0: i32, %arg1: i32) -> (i32, i32) {
    %c0_i32 = arith.constant 0 : i32
    %c0_i32_0 = arith.constant 0 : i32
    return %c0_i32, %arg1 : i32, i32
  }
  func.func @transform_5(%arg0: i32, %arg1: i32) -> (i32, i32) {
    %c0_i32 = arith.constant 0 : i32
    return %arg0, %arg1 : i32, i32
  }
}

</mosaic_0001>

<sc_bundles>
// kernel: kernel.10.cloned.1.call-start
scs
__scs_entry_jumppad:
0x0: {  	(pc) =	sbr.rel $0x88, $3  }
0x1: {  	(tag) =	ssettag $0x0;
	lr =	simm.s32 $0x1  }
0x2: {  	[smem:$0x3F9B] =	sst lr;
	_ =	strace $0xD0000000  }
0x3: {  	_ = 	snop  }
0x4: {  	_ = 	snop  }
0x5: {  	_ = 	snop  }
0x6: {  	_ = 	snop  }
0x7: {  	_ = 	snop  }
__scs_overlays_trampoline_lowered:
0x8: {  	[smem:$0x3FAA] =	sst s0  }
0x9: {  	[smem:$0x3FAB] =	sst s1  }
0xa: {  	[smem:$0x3FAC] =	sst s2  }
0xb: {  	[smem:$0x3FAD] =	sst s3  }
0xc: {  	[smem:$0x3FAE] =	sst s4  }
0xd: {  	[smem:$0x3FAF] =	sst s5  }
0xe: {  	[smem:$0x3FB0] =	sst s6  }
0xf: {  	[smem:$0x3FB1] =	sst s7  }
0x10: {  	[smem:$0x3FB2] =	sst s8  }
0x11: {  	[smem:$0x3FB3] =	sst s9;
	s0 =	simm.s32 @!p0 $0x0  }
0x12: {  	s1 =	sld [smem:$0x3F99];
	s0 =	simm.s32 @p0 $0x1  }
0x13: {  	[smem:$0x3FB4] =	sst s0;
	s0 =	simm.s32 @!p1 $0x0  }
0x14: {  	s2 =	sld [smem:$0x3F98];
	s0 =	simm.s32 @p1 $0x1  }
0x15: {  	[smem:$0x3FB5] =	sst s0;
	s0 =	simm.s32 @!p2 $0x0  }
0x16: {  	s3 =	sld [smem:$0x3FDB];
	s0 =	simm.s32 @p2 $0x1  }
0x17: {  	s4 =	simm.s32 $0x1BF5;
	[smem:$0x3FB7] =	sst s0  }
0x18: {  	s0 =	sld [smem:$0x3F9A];
	_ =	swait.ge [sflag:s4], $0x0  }
0x19: {  	s7 =	sld [smem:$0x3F9B]  }
0x1a: {  	s8 =	sadd.s32 $0xFFFFE003, lr  }
0x1b: {  	s9 =	sadd.s32 $0xFFFFFEF7, lr;
	s5 =	simm.s32 $0xFFFFFFFF;
	p2 =	slt.u32 s8, $0xFFFFF086  }
0x1c: {  	p1 =	slt.u32 s9, $0xF7A;
	s5 =	simm.s32 @!p2 $0x0  }
0x1d: {  	s5 =	simm.s32 @p1 $0x1;
	p0 =	seq.s32 s7, s2  }
0x1e: {  	s7 =	smul.u32 @!p0 $0xF7A, s2;
	p2 =	seq.s32 @!p0 s5, $0x0  }
0x1f: {  	s9 =	smul.u32 $0xF7A, s1;
	s8 =	simm.s32 @!p0 $0x1BF5;
	p2 =	por !p2, p0  }
0x20: {  	[sflag:s8] =	ssyncset.s32 @!p0 $0xFFFFF086;
	s6 =	sadd.s32 @!p0 s3, s7;
	s7 =	simm.s32 @!p0 $0x108  }
0x21: {  	s3 =	sadd.s32 s3, s9;
	s6 =	sadd.s32 @!p0 $0x88, s6;
	s7 =	simm.s32 @p2 $0x1082  }
0x22: {  	[simem:s7], [sflag:s8] =	dma.local @!p0 [hbm:s6], $0xF7A  }
0x23: {  	s9 =	sor.u32 $0xD0000000, s2;
	s6 =	simm.s32 $0x108;
	_ =	swait.ge @!p0 [sflag:s8], $0x0  }
0x24: {  	s3 =	sadd.s32 $0x88, s3;
	s6 =	simm.s32 @!p1 $0x1082;
	[sflag:s4] =	ssyncset.s32 $0xFFFFF086  }
0x25: {  	[simem:s6], [sflag:s4] =	dma.local [hbm:s3], $0xF7A  }
0x26: {  	[smem:$0x3F9B] =	sst s1;
	(tag) =	ssettag s2;
	_ =	strace s9  }
0x27: {  	s1 =	sld [smem:$0x3FAB]  }
0x28: {  	s2 =	sld [smem:$0x3FAC]  }
0x29: {  	s4 =	sld [smem:$0x3FAE]  }
0x2a: {  	p0 =	seq.s32 s5, $0x0;
	s5 =	sld [smem:$0x3FAF]  }
0x2b: {  	s6 =	sld [smem:$0x3FB0]  }
0x2c: {  	s7 =	sld [smem:$0x3FB1]  }
0x2d: {  	s3 =	simm.s32 $0x108;
	s8 =	sld [smem:$0x3FB2]  }
0x2e: {  	s3 =	simm.s32 @!p0 $0x1082;
	s9 =	sld [smem:$0x3FB3]  }
0x2f: {  	lr =	sadd.s32 s0, s3;
	s0 =	sld [smem:$0x3FAA]  }
0x30: {  	s3 =	sld [smem:$0x3FAD]  }
0x31: {  	[smem:$0x3FB6] =	sst s10  }
0x32: {  	s10 =	sld [smem:$0x3FB4];
	_ =	sdelay $0x3  }
0x33: {  	p0 =	seq.s32 s10, $0x1;
	s10 =	sld [smem:$0x3FB6];
	_ =	sdelay $0x3  }
0x34: {  	[smem:$0x3FB6] =	sst s10  }
0x35: {  	s10 =	sld [smem:$0x3FB5];
	_ =	sdelay $0x3  }
0x36: {  	p1 =	seq.s32 s10, $0x1;
	s10 =	sld [smem:$0x3FB6];
	_ =	sdelay $0x3  }
0x37: {  	[smem:$0x3FB6] =	sst s10  }
0x38: {  	s10 =	sld [smem:$0x3FB7]  }
0x39: {  	_ = 	snop;
	(pc) =	sbr.ind lr, $3  }
0x3a: {  	_ = 	snop  }
0x3b: {  	_ = 	snop  }
0x3c: {  	p2 =	seq.s32 s10, $0x1;
	s10 =	sld [smem:$0x3FB6]  }
0x3d: {  	_ =	shalt  }
0x3e: {  	_ =	shalt  }
0x3f: {  	_ =	shalt  }
0x40: {  	_ =	shalt  }
0x41: {  	_ =	shalt  }
0x42: {  	_ =	shalt  }
0x43: {  	_ =	shalt  }
0x44: {  	_ =	shalt  }
0x45: {  	_ =	shalt  }
0x46: {  	_ =	shalt  }
0x47: {  	_ =	shalt  }
0x48: {  	_ =	shalt  }
0x49: {  	_ =	shalt  }
0x4a: {  	_ =	shalt  }
0x4b: {  	_ =	shalt  }
0x4c: {  	_ =	shalt  }
0x4d: {  	_ =	shalt  }
0x4e: {  	_ =	shalt  }
0x4f: {  	_ =	shalt  }
0x50: {  	_ =	shalt  }
0x51: {  	_ =	shalt  }
0x52: {  	_ =	shalt  }
0x53: {  	_ =	shalt  }
0x54: {  	_ =	shalt  }
0x55: {  	_ =	shalt  }
0x56: {  	_ =	shalt  }
0x57: {  	_ =	shalt  }
0x58: {  	_ =	shalt  }
0x59: {  	_ =	shalt  }
0x5a: {  	_ =	shalt  }
0x5b: {  	_ =	shalt  }
0x5c: {  	_ =	shalt  }
0x5d: {  	_ =	shalt  }
0x5e: {  	_ =	shalt  }
0x5f: {  	_ =	shalt  }
0x60: {  	_ =	shalt  }
0x61: {  	_ =	shalt  }
0x62: {  	_ =	shalt  }
0x63: {  	_ =	shalt  }
0x64: {  	_ =	shalt  }
0x65: {  	_ =	shalt  }
0x66: {  	_ =	shalt  }
0x67: {  	_ =	shalt  }
0x68: {  	_ =	shalt  }
0x69: {  	_ =	shalt  }
0x6a: {  	_ =	shalt  }
0x6b: {  	_ =	shalt  }
0x6c: {  	_ =	shalt  }
0x6d: {  	_ =	shalt  }
0x6e: {  	_ =	shalt  }
0x6f: {  	_ =	shalt  }
0x70: {  	_ =	shalt  }
0x71: {  	_ =	shalt  }
0x72: {  	_ =	shalt  }
0x73: {  	_ =	shalt  }
0x74: {  	_ =	shalt  }
0x75: {  	_ =	shalt  }
0x76: {  	_ =	shalt  }
0x77: {  	_ =	shalt  }
0x78: {  	_ =	shalt  }
0x79: {  	_ =	shalt  }
0x7a: {  	_ =	shalt  }
0x7b: {  	_ =	shalt  }
0x7c: {  	_ =	shalt  }
0x7d: {  	_ =	shalt  }
0x7e: {  	_ =	shalt  }
0x7f: {  	_ =	shalt  }
0x80: {  	_ =	shalt  }
0x81: {  	_ =	shalt  }
0x82: {  	_ =	shalt  }
0x83: {  	_ =	shalt  }
0x84: {  	_ =	shalt  }
0x85: {  	_ =	shalt  }
0x86: {  	_ =	shalt  }
0x87: {  	_ =	shalt  }
.Lfunc_end0:
.L_simem_size_0:
called_computation.1_lowered:
.L_overlay_start_0:
0x88: {  	s2 =	sld [smem:$0x3FD9]  }
0x89: {  	s3 =	sld [smem:$0x3FFE];
	_ =	sdelay $0x1  }
0x8a: {  	s1 =	srdreg.scid  }
0x8b: {  	s0 =	sand.u32 $0x1, s1  }
0x8c: {  	s17 =	sshll.u32 s0, $0xA;
	s2 =	sadd.s32 s3, s2  }
0x8d: {  	s2 =	sadd.s32 s2, s17  }
0x8e: {  	[smem:$0x3FC2] =	sst s2  }
0x8f: {  	_ = 	snop  }
0x90: {  	s2 =	sld [smem:$0x3FD0];
	(tm) =	ssettm $0x1  }
0x91: {  	s18 =	sld [smem:$0x3FFB];
	_ =	sdelay $0x3  }
0x92: {  	_ =	strace s18  }
0x93: {  	s3 =	sld [smem:$0x3FFC];
	_ =	sdelay $0x3  }
0x94: {  	_ =	strace s3  }
0x95: {  	s3 =	sld [smem:$0x3FFD];
	_ =	sdelay $0x3  }
0x96: {  	_ =	strace s3  }
0x97: {  	_ =	strace $0x8FFFFFFF  }
0x98: {  	s19 =	sld [smem:$0x3FDB];
	_ =	sdelay $0x1  }
0x99: {  	s4 =	simm.s32 $_scs_section_size  }
0x9a: {  	s5 =	simm.s32 $_size__tile_overlayer_lowered;
	s6 =	simm.s32 $_tile_overlayer_lowered  }
0x9b: {  	s22 =	simm.s32 $0x1BFF;
	s21 =	sshll.u32 s6, $0x1;
	s3 =	sadd.s32 s4, s19  }
0x9c: {  	s7 =	simm.s32 $0x0;
	s20 =	sshll.u32 s5, $0x1;
	s5 =	sadd.s32 s21, s3  }
0x9d: {  	[timem:s7], [sflag:s22] =	dma.local [hbm:s5], s20  }
0x9e: {  	_ =	swait.ge [sflag:s22], s20  }
0x9f: {  	s4 =	ssub.s32 $0x0, s20;
	[sflag:s22] =	ssyncset.done $0x0  }
0xa0: {  	[sflag:s22] =	ssyncadd.s32 s4;
	_ =	sdelay $0x1  }
0xa1: {  	s23 =	simm.s32 $0x1B8B  }
0xa2: {  	_ =	swait.ge [sflag:s23], $0x1  }
0xa3: {  	[sflag:s23] =	ssyncset.done $0x0  }
0xa4: {  	s25 =	simm.s32 $0x1B8E;
	s24 =	sld [smem:$0x3FFE];
	[sflag:s23] =	ssyncadd.s32 $0xFFFFFFFF  }
0xa5: {  	s26 =	simm.s32 $execute0_lowered;
	[smem:$0x3FD2] =	sst s25  }
0xa6: {  	s5 =	sshll.u32 s26, $0x1;
	_ =	strace $0x80000049;
	[dreg:$0x1] =	wrdreg $0xFFFFFFFF  }
0xa7: {  	s28 =	simm.s32 $_size_execute0_lowered;
	s3 =	sadd.s32 s3, s5;
	[dreg:$0x0] =	wrdreg $0x0  }
0xa8: {  	s5 =	sshll.u32 s28, $0x1;
	[dreg:$0x2] =	wrdreg s3  }
0xa9: {  	[dreg:$0x3] =	wrdreg s5  }
0xaa: {  	[dreg:$0x4] =	wrdreg $0xC0  }
0xab: {  	_ =	task [dreg:s7], $0x5FFFF  }
0xac: {  	[dreg:$0x1] =	wrdreg $0xFFFFFFFF  }
0xad: {  	[dreg:$0x0] =	wrdreg $0x60  }
0xae: {  	[dreg:$0x2] =	wrdreg s24  }
0xaf: {  	[dreg:$0x3] =	wrdreg s2  }
0xb0: {  	[dreg:$0x4] =	wrdreg $0x41000  }
0xb1: {  	[dreg:$0x5] =	wrdreg $0x9  }
0xb2: {  	_ =	task.clear_ibuf [dreg:s7], $0x6FFFF;
	_ =	strace $0x90000049  }
0xb3: {  	s29 =	simm.s32 $0x9;
	_ =	strace $0x8000004B  }
0xb4: {  	_ =	swait.ge [sflag:s29], $0x1  }
0xb5: {  	[sflag:s29] =	ssyncadd.s32 $0xFFFFFFFF  }
0xb6: {  	_ =	strace $0x9000004B  }
0xb7: {  	_ =	sfence  }
0xb8: {  	s30 =	sld [smem:$0x0];
	_ =	sdelay $0x2  }
0xb9: {  	s31 =	sshll.u32 s1, $0xD;
	s1 =	sshrl.u32 s1, $0x2  }
0xba: {  	s3 =	sand.u32 $0x4000, s31;
	s1 =	sadd.s32 s1, s30  }
0xbb: {  	s0 =	sor.u32 s3, s0;
	s1 =	sshll.u32 s1, $0x11  }
0xbc: {  	s0 =	sor.u32 s1, s0  }
0xbd: {  	s0 =	sadd.s32 $0x8F2B, s0  }
0xbe: {  	[sflag:s0] =	ssyncadd.remote.s32 $0x1  }
0xbf: {  	_ =	sfence.sel $0xFFFF  }
0xc0: {  	[dreg:$0x0] =	wrdreg $0xFFFFFFFF;
	(pc) =	sbr.abs _section_cstart, $3  }
0xc1: {  	[dreg:$0x1] =	wrdreg $0xFFFFFFFF  }
0xc2: {  	_ =	task.clear_ibuf [dreg:s7], $0x2FFFF;
	_ =	strace $0x9FFFFFFF  }
0xc3: {  	(tm) =	ssettm $0x7FFFFFFF  }
tec
execute0_lowered:
.L_overlay_start_1:
0x0: {  	(tag) =	ssettag $0x1  }
0x1: {  	s6 =	rddreg [dreg:$0x0]  }
0x2: {  	s17 =	rddreg [dreg:$0x1]  }
0x3: {  	s1 =	rddreg [dreg:$0x2]  }
0x4: {  	s0 =	rddreg [dreg:$0x3];
	s2 =	simm.s32 $0x0  }
0x5: {  	s5 =	srdreg.scid;
	s3 =	stileid.u32;
	s22 =	simm.s32 $0x1  }
0x6: {  	s23 =	simm.s32 $0x0;
	[smem:$0x7FF] =	sst s2;
	s4 =	sadd.s32 $0xCC00, s6  }
0x7: {  	s8 =	sand.u32 $0x1, s5;
	s5 =	sadd.s32 $0x2C00, s6;
	s9 =	smul.u32 $0x50000, s3  }
0x8: {  	s6 =	sadd.s32 $0x16C00, s6;
	s11 =	smul.u32 $0x14000, s3;
	_ =	strace $0x8000004A  }
0x9: {  	s7 =	ssub.s32 $0x2, s8;
	s31 =	sshll.u32 s8, $0x4;
	s19 =	smul.u32 $0x140000, s8  }
0xa: {  	s10 =	sshrl.u32 s7, $0x1;
	s9 =	sshrl.u32 s9, $0x2;
	s12 =	sor.u32 s3, s31  }
0xb: {  	s13 =	sadd.s32 $0x4000, s11;
	s15 =	sadd.s32 $0x8000, s11;
	s16 =	sadd.s32 $0xC000, s11  }
0xc: {  	s20 =	sadd.s32 $0x10000, s11;
	s18 =	ssub.s32 s7, s10;
	s7 =	sadd.s32 s9, s1  }
0xd: {  	s8 =	sadd.s32 s13, s1;
	s9 =	sadd.s32 s15, s1;
	s10 =	sadd.s32 s16, s1  }
0xe: {  	s14 =	sadd.s32 s11, s19;
	s13 =	sadd.s32 s19, s13;
	s11 =	sadd.s32 s20, s1  }
0xf: {  	s12 =	smul.u32 $0x2800, s12;
	s15 =	sadd.s32 s19, s15;
	s16 =	sadd.s32 s19, s16  }
0x10: {  	s19 =	sadd.s32 s19, s20;
	s20 =	simm.s32 $0x2;
	s14 =	sshrl.u32 s14, $0x3  }
0x11: {  	s21 =	sshrl.u32 s13, $0x3;
	s15 =	sshrl.u32 s15, $0x3;
	s16 =	sshrl.u32 s16, $0x3  }
0x12: {  	s19 =	sshrl.u32 s19, $0x3;
	s18 =	smax.u32 s18, $0x1;
	s13 =	sadd.s32 s17, s14  }
0x13: {  	s14 =	sadd.s32 s17, s21;
	s15 =	sadd.s32 s17, s15;
	s16 =	sadd.s32 s17, s16  }
0x14: {  	v0 =	vimm.f32 $0.0e+00;
	s17 =	sadd.s32 s17, s19;
	s19 =	simm.s32 $0x100;
	s21 =	simm.s32 $0x80  }
.LBB2_1:
0x15: {  	s24 =	simm.s32 $0x0;
	s25 =	simm.s32 $0x200  }
.LBB2_2:
0x16: {  	p0 =	sne.s32 s25, $0xFE00;
	[tilespmem:s24+$0x170] =	vst v0  }
0x17: {  	[tilespmem:s24+$0x100] =	vst v0  }
0x18: {  	[tilespmem:s24+$0x110] =	vst v0  }
.Ltmp0:
0x19: {  	[tilespmem:s24+$0x120] =	vst v0;
	(pc) =	sbr.rel @p0 .LBB2_2-.Ltmp0, $4  }
0x1a: {  	[tilespmem:s24+$0x130] =	vst v0  }
0x1b: {  	[tilespmem:s24+$0x140] =	vst v0  }
0x1c: {  	[tilespmem:s24+$0x150] =	vst v0  }
0x1d: {  	[tilespmem:s24+$0x160] =	vst v0;
	s24 =	sshra.s32 s25, $0x2;
	s25 =	sadd.s32 $0x200, s25  }
0x1e: {  	[tilespmem:s24+$0x170] =	vst v0  }
0x1f: {  	[tilespmem:s24+$0x100] =	vst v0  }
0x20: {  	[tilespmem:s24+$0x110] =	vst v0  }
0x21: {  	[tilespmem:s24+$0x120] =	vst v0  }
0x22: {  	[tilespmem:s24+$0x130] =	vst v0  }
0x23: {  	[tilespmem:s24+$0x140] =	vst v0  }
0x24: {  	[tilespmem:s24+$0x150] =	vst v0  }
0x25: {  	[tilespmem:s24+$0x160] =	vst v0  }
0x26: {  	[spmem:s7] =	stream.linear.scatter [tilespmem:s19], [sflag:$0x2], $0x4000, $0x38;
	[tilespmem:$0x18100] =	vst v63  }
0x27: {  	_ =	swait.ge [sflag:s20], $0x4000  }
0x28: {  	[sflag:s20] =	ssyncset.done $0x0  }
0x29: {  	[sflag:s20] =	ssyncadd.s32 $0xFFFFC000  }
0x2a: {  	[spmem:s8] =	stream.linear.scatter [tilespmem:s19], [sflag:$0x2], $0x4000, $0x38;
	[tilespmem:$0x18100] =	vst v63  }
0x2b: {  	_ =	swait.ge [sflag:s20], $0x4000  }
0x2c: {  	[sflag:s20] =	ssyncset.done $0x0  }
0x2d: {  	[sflag:s20] =	ssyncadd.s32 $0xFFFFC000  }
0x2e: {  	[spmem:s9] =	stream.linear.scatter [tilespmem:s19], [sflag:$0x2], $0x4000, $0x38;
	[tilespmem:$0x18100] =	vst v63  }
0x2f: {  	_ =	swait.ge [sflag:s20], $0x4000  }
0x30: {  	[sflag:s20] =	ssyncset.done $0x0  }
0x31: {  	[sflag:s20] =	ssyncadd.s32 $0xFFFFC000  }
0x32: {  	[spmem:s10] =	stream.linear.scatter [tilespmem:s19], [sflag:$0x2], $0x4000, $0x38;
	[tilespmem:$0x18100] =	vst v63  }
0x33: {  	_ =	swait.ge [sflag:s20], $0x4000  }
0x34: {  	s28 =	simm.s32 $0x0;
	[sflag:s20] =	ssyncset.done $0x0  }
0x35: {  	s25 =	sand.u32 $0x3C00, s28;
	[sflag:s20] =	ssyncadd.s32 $0xFFFFC000  }
0x36: {  	[spmem:s11] =	stream.linear.scatter [tilespmem:s19], [sflag:$0x2], $0x4000, $0x38;
	[tilespmem:$0x18100] =	vst v63  }
0x37: {  	s24 =	sand.u32 $0x380, s28;
	s25 =	sadd.s32 s12, s25;
	_ =	swait.ge [sflag:s20], $0x4000  }
0x38: {  	s24 =	sor.u32 s24, s25;
	[sflag:s20] =	ssyncset.done $0x0  }
0x39: {  	s24 =	sshrl.u32 s24, $0x3;
	[sflag:s20] =	ssyncadd.s32 $0xFFFFC000  }
0x3a: {  	s29 =	sadd.s32 s4, s24;
	[bflag:$0x0] =	sbarrier.arrive $0xFFFF  }
0x3b: {  	[tilespmem:s2], [sflag:$0x2] =	stream.linear.gather [hbm4b:s29+s2], $0x80, $0x38;
	[tilespmem:$0x18100] =	vst v63  }
0x3c: {  	_ =	swait.ge [sflag:s20], $0x80  }
0x3d: {  	[sflag:s20] =	ssyncset.done $0x0  }
0x3e: {  	s24 =	sadd.s32 s5, s24;
	[sflag:s20] =	ssyncadd.s32 $0xFFFFFF80  }
0x3f: {  	[tilespmem:s21], [sflag:$0x2] =	stream.linear.gather [hbm4b:s24+s2], $0x80, $0x38;
	[tilespmem:$0x18100] =	vst v63  }
0x40: {  	_ =	swait.ge [sflag:s20], $0x80  }
0x41: {  	[sflag:s20] =	ssyncset.done $0x0  }
0x42: {  	[sflag:s20] =	ssyncadd.s32 $0xFFFFFF80  }
0x43: {  	[tilespmem:s19], [sflag:$0x1] =	stream.indirect.gather [hbm4b:s6+s21], $0x80, s2, s21, $0xb8;
	[tilespmem:$0x18100] =	vst v63  }
0x44: {  	_ =	swait.ge [sflag:s22], $0x4000  }
0x45: {  	s30 =	simm.s32 $0x80;
	[sflag:s22] =	ssyncset.done $0x0  }
0x46: {  	s31 =	sand.u32 $0x3C00, s30;
	[sflag:s22] =	ssyncadd.s32 $0xFFFFC000  }
0x47: {  	[spmem:s1] =	stream.indirect.scatter.add.f32 [tilespmem:s19], [sflag:$0x2], $0x80, s21, s21, $0xb8;
	[tilespmem:$0x18100] =	vst v63  }
0x48: {  	s26 =	sand.u32 $0x380, s30;
	s25 =	sadd.s32 s12, s31;
	_ =	swait.ge [sflag:s20], $0x4000  }
0x49: {  	s25 =	sor.u32 s26, s25;
	s24 =	simm.s32 $0x100;
	[sflag:s20] =	ssyncset.done $0x0  }
.LBB2_4:
0x4a: {  	s25 =	sshrl.u32 s25, $0x3  }
0x4b: {  	[sflag:s20] =	ssyncadd.s32 $0xFFFFC000;
	s26 =	smov.u32 s24;
	s28 =	sadd.s32 $0x80, s24  }
0x4c: {  	p0 =	sne.s32 s24, $0x2700;
	s24 =	sadd.s32 s4, s25  }
0x4d: {  	[tilespmem:s2], [sflag:$0x2] =	stream.linear.gather [hbm4b:s24+s2], $0x80, $0x38;
	[tilespmem:$0x18100] =	vst v63  }
0x4e: {  	_ =	swait.ge [sflag:s20], $0x80  }
0x4f: {  	[sflag:s20] =	ssyncset.done $0x0  }
0x50: {  	s24 =	sadd.s32 s5, s25;
	[sflag:s20] =	ssyncadd.s32 $0xFFFFFF80  }
0x51: {  	[tilespmem:s21], [sflag:$0x2] =	stream.linear.gather [hbm4b:s24+s2], $0x80, $0x38;
	[tilespmem:$0x18100] =	vst v63  }
0x52: {  	_ =	swait.ge [sflag:s20], $0x80  }
0x53: {  	[sflag:s20] =	ssyncset.done $0x0  }
0x54: {  	[sflag:s20] =	ssyncadd.s32 $0xFFFFFF80  }
0x55: {  	[tilespmem:s19], [sflag:$0x1] =	stream.indirect.gather [hbm4b:s6+s21], $0x80, s2, s21, $0xb8;
	[tilespmem:$0x18100] =	vst v63  }
0x56: {  	_ =	swait.ge [sflag:s22], $0x4000  }
.Ltmp1:
0x57: {  	[sflag:s22] =	ssyncset.done $0x0;
	(pc) =	sbr.rel @p0 .LBB2_4-.Ltmp1, $4  }
0x58: {  	s24 =	sand.u32 $0x3C00, s26;
	[sflag:s22] =	ssyncadd.s32 $0xFFFFC000  }
0x59: {  	[spmem:s1] =	stream.indirect.scatter.add.f32 [tilespmem:s19], [sflag:$0x2], $0x80, s21, s21, $0xb8;
	[tilespmem:$0x18100] =	vst v63  }
0x5a: {  	s25 =	sand.u32 $0x380, s26;
	s24 =	sadd.s32 s12, s24;
	_ =	swait.ge [sflag:s20], $0x4000  }
0x5b: {  	s25 =	sor.u32 s25, s24;
	s24 =	smov.u32 s28;
	[sflag:s20] =	ssyncset.done $0x0  }
0x5c: {  	s24 =	sshrl.u32 s25, $0x3  }
0x5d: {  	[sflag:s20] =	ssyncadd.s32 $0xFFFFC000;
	s25 =	sadd.s32 s4, s24  }
0x5e: {  	[tilespmem:s2], [sflag:$0x2] =	stream.linear.gather [hbm4b:s25+s2], $0x80, $0x38;
	[tilespmem:$0x18100] =	vst v63  }
0x5f: {  	_ =	swait.ge [sflag:s20], $0x80  }
0x60: {  	[sflag:s20] =	ssyncset.done $0x0  }
0x61: {  	s24 =	sadd.s32 s5, s24;
	[sflag:s20] =	ssyncadd.s32 $0xFFFFFF80  }
0x62: {  	[tilespmem:s21], [sflag:$0x2] =	stream.linear.gather [hbm4b:s24+s2], $0x80, $0x38;
	[tilespmem:$0x18100] =	vst v63  }
0x63: {  	_ =	swait.ge [sflag:s20], $0x80  }
0x64: {  	[sflag:s20] =	ssyncset.done $0x0  }
0x65: {  	[sflag:s20] =	ssyncadd.s32 $0xFFFFFF80  }
0x66: {  	[tilespmem:s19], [sflag:$0x1] =	stream.indirect.gather [hbm4b:s6+s21], $0x80, s2, s21, $0xb8;
	[tilespmem:$0x18100] =	vst v63  }
0x67: {  	_ =	swait.ge [sflag:s22], $0x4000  }
0x68: {  	[sflag:s22] =	ssyncset.done $0x0  }
0x69: {  	[sflag:s22] =	ssyncadd.s32 $0xFFFFC000  }
0x6a: {  	[spmem:s1] =	stream.indirect.scatter.add.f32 [tilespmem:s19], [sflag:$0x2], $0x80, s21, s21, $0xb8;
	[tilespmem:$0x18100] =	vst v63  }
0x6b: {  	_ =	swait.ge [sflag:s20], $0x4000  }
0x6c: {  	[sflag:s20] =	ssyncset.done $0x0  }
0x6d: {  	[sflag:s20] =	ssyncadd.s32 $0xFFFFC000  }
0x6e: {  	[bflag:$0x0] =	sbarrier.arrive $0xFFFF  }
0x6f: {  	[tilespmem:s19], [sflag:$0x2] =	stream.linear.gather [spmem:s7], $0x4000, $0x38;
	[tilespmem:$0x18100] =	vst v63  }
0x70: {  	_ =	swait.ge [sflag:s20], $0x4000  }
0x71: {  	[sflag:s20] =	ssyncset.done $0x0  }
0x72: {  	[sflag:s20] =	ssyncadd.s32 $0xFFFFC000  }
0x73: {  	[hbm4b:s13+s2] =	stream.linear.scatter [tilespmem:s19], [sflag:$0x2], $0x4000, $0x38;
	[tilespmem:$0x18100] =	vst v63  }
0x74: {  	_ =	swait.ge [sflag:s20], $0x4000  }
0x75: {  	[sflag:s20] =	ssyncset.done $0x0  }
0x76: {  	[sflag:s20] =	ssyncadd.s32 $0xFFFFC000  }
0x77: {  	[tilespmem:s19], [sflag:$0x2] =	stream.linear.gather [spmem:s8], $0x4000, $0x38;
	[tilespmem:$0x18100] =	vst v63  }
0x78: {  	_ =	swait.ge [sflag:s20], $0x4000  }
0x79: {  	[sflag:s20] =	ssyncset.done $0x0  }
0x7a: {  	[sflag:s20] =	ssyncadd.s32 $0xFFFFC000  }
0x7b: {  	[hbm4b:s14+s2] =	stream.linear.scatter [tilespmem:s19], [sflag:$0x2], $0x4000, $0x38;
	[tilespmem:$0x18100] =	vst v63  }
0x7c: {  	_ =	swait.ge [sflag:s20], $0x4000  }
0x7d: {  	[sflag:s20] =	ssyncset.done $0x0  }
0x7e: {  	[sflag:s20] =	ssyncadd.s32 $0xFFFFC000  }
0x7f: {  	[tilespmem:s19], [sflag:$0x2] =	stream.linear.gather [spmem:s9], $0x4000, $0x38;
	[tilespmem:$0x18100] =	vst v63  }
0x80: {  	_ =	swait.ge [sflag:s20], $0x4000  }
0x81: {  	[sflag:s20] =	ssyncset.done $0x0  }
0x82: {  	[sflag:s20] =	ssyncadd.s32 $0xFFFFC000  }
0x83: {  	[hbm4b:s15+s2] =	stream.linear.scatter [tilespmem:s19], [sflag:$0x2], $0x4000, $0x38;
	[tilespmem:$0x18100] =	vst v63  }
0x84: {  	_ =	swait.ge [sflag:s20], $0x4000  }
0x85: {  	[sflag:s20] =	ssyncset.done $0x0  }
0x86: {  	[sflag:s20] =	ssyncadd.s32 $0xFFFFC000  }
0x87: {  	[tilespmem:s19], [sflag:$0x2] =	stream.linear.gather [spmem:s10], $0x4000, $0x38;
	[tilespmem:$0x18100] =	vst v63  }
0x88: {  	_ =	swait.ge [sflag:s20], $0x4000  }
0x89: {  	[sflag:s20] =	ssyncset.done $0x0  }
0x8a: {  	[sflag:s20] =	ssyncadd.s32 $0xFFFFC000  }
0x8b: {  	[hbm4b:s16+s2] =	stream.linear.scatter [tilespmem:s19], [sflag:$0x2], $0x4000, $0x38;
	[tilespmem:$0x18100] =	vst v63  }
0x8c: {  	_ =	swait.ge [sflag:s20], $0x4000  }
0x8d: {  	[sflag:s20] =	ssyncset.done $0x0  }
0x8e: {  	[sflag:s20] =	ssyncadd.s32 $0xFFFFC000  }
0x8f: {  	[tilespmem:s19], [sflag:$0x2] =	stream.linear.gather [spmem:s11], $0x4000, $0x38;
	[tilespmem:$0x18100] =	vst v63  }
0x90: {  	s23 =	sadd.s32 $0x1, s23;
	_ =	swait.ge [sflag:s20], $0x4000  }
0x91: {  	p0 =	sne.s32 s23, s18;
	[sflag:s20] =	ssyncset.done $0x0  }
.Ltmp2:
0x92: {  	[sflag:s20] =	ssyncadd.s32 $0xFFFFC000;
	(pc) =	sbr.rel @p0 .LBB2_1-.Ltmp2, $4  }
0x93: {  	[hbm4b:s17+s2] =	stream.linear.scatter [tilespmem:s19], [sflag:$0x2], $0x4000, $0x38;
	[tilespmem:$0x18100] =	vst v63  }
0x94: {  	_ =	swait.ge [sflag:s20], $0x4000  }
0x95: {  	[sflag:s20] =	ssyncset.done $0x0  }
0x96: {  	[sflag:s20] =	ssyncadd.s32 $0xFFFFC000  }
0x97: {  	_ =	sfence.sel $0x180000  }
0x98: {  	[bflag:$0x0] =	sbarrier.arrive $0xFFFF  }
0x99: {  	p0 =	sne.s32 s3, $0x0;
	_ =	strace $0x9000004A  }
0x9a: {  	s0 =	sadd.s32 @!p0 $0x100000, s0;
	[bflag:$0x2] =	sbarrier.arrive $0xFFFF  }
0x9b: {  	[sflag:s0] =	ssyncadd.tile.s32 @!p0 $0x1;
	_ =	shalt  }
.Lfunc_end2:
_tile_overlayer_lowered:
.L_overlay_start_2:
0x9c: {  	(tag) =	ssettag $0x2  }
0x9d: {  	s0 =	rddreg [dreg:$0x0];
	s2 =	stileid.u32  }
0x9e: {  	s1 =	rddreg [dreg:$0x1];
	p0 =	sne.s32 s2, $0x0  }
0x9f: {  	s3 =	rddreg [dreg:$0x2];
	[bflag:$0x3] =	sbarrier.arrive $0xFFFF;
	s2 =	simm.s32 @!p0 $0x1C02  }
0xa0: {  	[timem:s3], [sflag:s2] =	dma.local @!p0 [hbm:s0], s1  }
0xa1: {  	s0 =	simm.s32 @!p0 $0x2  }
0xa2: {  	_ =	swait.ge @!p0 [sflag:s0], s1  }
0xa3: {  	s1 =	ssub.s32 @!p0 $0x0, s1;
	[sflag:s0] =	ssyncset.done @!p0 $0x0  }
0xa4: {  	[sflag:s0] =	ssyncadd.s32 @!p0 s1  }
0xa5: {  	[bflag:$0x3] =	sbarrier.arrive $0xFFFF  }
0xa6: {  	_ =	shalt  }

// kernel: kernel.7.cloned.1.call-start
scs
__scs_entry_jumppad:
0x0: {  	(pc) =	sbr.rel $0x88, $3  }
0x1: {  	(tag) =	ssettag $0x0;
	lr =	simm.s32 $0x1  }
0x2: {  	[smem:$0x3F9B] =	sst lr;
	_ =	strace $0xD0000000  }
0x3: {  	_ = 	snop  }
0x4: {  	_ = 	snop  }
0x5: {  	_ = 	snop  }
0x6: {  	_ = 	snop  }
0x7: {  	_ = 	snop  }
__scs_overlays_trampoline_lowered:
0x8: {  	[smem:$0x3FAA] =	sst s0  }
0x9: {  	[smem:$0x3FAB] =	sst s1  }
0xa: {  	[smem:$0x3FAC] =	sst s2  }
0xb: {  	[smem:$0x3FAD] =	sst s3  }
0xc: {  	[smem:$0x3FAE] =	sst s4  }
0xd: {  	[smem:$0x3FAF] =	sst s5  }
0xe: {  	[smem:$0x3FB0] =	sst s6  }
0xf: {  	[smem:$0x3FB1] =	sst s7  }
0x10: {  	[smem:$0x3FB2] =	sst s8  }
0x11: {  	[smem:$0x3FB3] =	sst s9;
	s0 =	simm.s32 @!p0 $0x0  }
0x12: {  	s1 =	sld [smem:$0x3F99];
	s0 =	simm.s32 @p0 $0x1  }
0x13: {  	[smem:$0x3FB4] =	sst s0;
	s0 =	simm.s32 @!p1 $0x0  }
0x14: {  	s2 =	sld [smem:$0x3F98];
	s0 =	simm.s32 @p1 $0x1  }
0x15: {  	[smem:$0x3FB5] =	sst s0;
	s0 =	simm.s32 @!p2 $0x0  }
0x16: {  	s3 =	sld [smem:$0x3FDB];
	s0 =	simm.s32 @p2 $0x1  }
0x17: {  	s4 =	simm.s32 $0x1BF5;
	[smem:$0x3FB7] =	sst s0  }
0x18: {  	s0 =	sld [smem:$0x3F9A];
	_ =	swait.ge [sflag:s4], $0x0  }
0x19: {  	s7 =	sld [smem:$0x3F9B]  }
0x1a: {  	s8 =	sadd.s32 $0xFFFFE003, lr  }
0x1b: {  	s9 =	sadd.s32 $0xFFFFFEF7, lr;
	s5 =	simm.s32 $0xFFFFFFFF;
	p2 =	slt.u32 s8, $0xFFFFF086  }
0x1c: {  	p1 =	slt.u32 s9, $0xF7A;
	s5 =	simm.s32 @!p2 $0x0  }
0x1d: {  	s5 =	simm.s32 @p1 $0x1;
	p0 =	seq.s32 s7, s2  }
0x1e: {  	s7 =	smul.u32 @!p0 $0xF7A, s2;
	p2 =	seq.s32 @!p0 s5, $0x0  }
0x1f: {  	s9 =	smul.u32 $0xF7A, s1;
	s8 =	simm.s32 @!p0 $0x1BF5;
	p2 =	por !p2, p0  }
0x20: {  	[sflag:s8] =	ssyncset.s32 @!p0 $0xFFFFF086;
	s6 =	sadd.s32 @!p0 s3, s7;
	s7 =	simm.s32 @!p0 $0x108  }
0x21: {  	s3 =	sadd.s32 s3, s9;
	s6 =	sadd.s32 @!p0 $0x88, s6;
	s7 =	simm.s32 @p2 $0x1082  }
0x22: {  	[simem:s7], [sflag:s8] =	dma.local @!p0 [hbm:s6], $0xF7A  }
0x23: {  	s9 =	sor.u32 $0xD0000000, s2;
	s6 =	simm.s32 $0x108;
	_ =	swait.ge @!p0 [sflag:s8], $0x0  }
0x24: {  	s3 =	sadd.s32 $0x88, s3;
	s6 =	simm.s32 @!p1 $0x1082;
	[sflag:s4] =	ssyncset.s32 $0xFFFFF086  }
0x25: {  	[simem:s6], [sflag:s4] =	dma.local [hbm:s3], $0xF7A  }
0x26: {  	[smem:$0x3F9B] =	sst s1;
	(tag) =	ssettag s2;
	_ =	strace s9  }
0x27: {  	s1 =	sld [smem:$0x3FAB]  }
0x28: {  	s2 =	sld [smem:$0x3FAC]  }
0x29: {  	s4 =	sld [smem:$0x3FAE]  }
0x2a: {  	p0 =	seq.s32 s5, $0x0;
	s5 =	sld [smem:$0x3FAF]  }
0x2b: {  	s6 =	sld [smem:$0x3FB0]  }
0x2c: {  	s7 =	sld [smem:$0x3FB1]  }
0x2d: {  	s3 =	simm.s32 $0x108;
	s8 =	sld [smem:$0x3FB2]  }
0x2e: {  	s3 =	simm.s32 @!p0 $0x1082;
	s9 =	sld [smem:$0x3FB3]  }
0x2f: {  	lr =	sadd.s32 s0, s3;
	s0 =	sld [smem:$0x3FAA]  }
0x30: {  	s3 =	sld [smem:$0x3FAD]  }
0x31: {  	[smem:$0x3FB6] =	sst s10  }
0x32: {  	s10 =	sld [smem:$0x3FB4];
	_ =	sdelay $0x3  }
0x33: {  	p0 =	seq.s32 s10, $0x1;
	s10 =	sld [smem:$0x3FB6];
	_ =	sdelay $0x3  }
0x34: {  	[smem:$0x3FB6] =	sst s10  }
0x35: {  	s10 =	sld [smem:$0x3FB5];
	_ =	sdelay $0x3  }
0x36: {  	p1 =	seq.s32 s10, $0x1;
	s10 =	sld [smem:$0x3FB6];
	_ =	sdelay $0x3  }
0x37: {  	[smem:$0x3FB6] =	sst s10  }
0x38: {  	s10 =	sld [smem:$0x3FB7]  }
0x39: {  	_ = 	snop;
	(pc) =	sbr.ind lr, $3  }
0x3a: {  	_ = 	snop  }
0x3b: {  	_ = 	snop  }
0x3c: {  	p2 =	seq.s32 s10, $0x1;
	s10 =	sld [smem:$0x3FB6]  }
0x3d: {  	_ =	shalt  }
0x3e: {  	_ =	shalt  }
0x3f: {  	_ =	shalt  }
0x40: {  	_ =	shalt  }
0x41: {  	_ =	shalt  }
0x42: {  	_ =	shalt  }
0x43: {  	_ =	shalt  }
0x44: {  	_ =	shalt  }
0x45: {  	_ =	shalt  }
0x46: {  	_ =	shalt  }
0x47: {  	_ =	shalt  }
0x48: {  	_ =	shalt  }
0x49: {  	_ =	shalt  }
0x4a: {  	_ =	shalt  }
0x4b: {  	_ =	shalt  }
0x4c: {  	_ =	shalt  }
0x4d: {  	_ =	shalt  }
0x4e: {  	_ =	shalt  }
0x4f: {  	_ =	shalt  }
0x50: {  	_ =	shalt  }
0x51: {  	_ =	shalt  }
0x52: {  	_ =	shalt  }
0x53: {  	_ =	shalt  }
0x54: {  	_ =	shalt  }
0x55: {  	_ =	shalt  }
0x56: {  	_ =	shalt  }
0x57: {  	_ =	shalt  }
0x58: {  	_ =	shalt  }
0x59: {  	_ =	shalt  }
0x5a: {  	_ =	shalt  }
0x5b: {  	_ =	shalt  }
0x5c: {  	_ =	shalt  }
0x5d: {  	_ =	shalt  }
0x5e: {  	_ =	shalt  }
0x5f: {  	_ =	shalt  }
0x60: {  	_ =	shalt  }
0x61: {  	_ =	shalt  }
0x62: {  	_ =	shalt  }
0x63: {  	_ =	shalt  }
0x64: {  	_ =	shalt  }
0x65: {  	_ =	shalt  }
0x66: {  	_ =	shalt  }
0x67: {  	_ =	shalt  }
0x68: {  	_ =	shalt  }
0x69: {  	_ =	shalt  }
0x6a: {  	_ =	shalt  }
0x6b: {  	_ =	shalt  }
0x6c: {  	_ =	shalt  }
0x6d: {  	_ =	shalt  }
0x6e: {  	_ =	shalt  }
0x6f: {  	_ =	shalt  }
0x70: {  	_ =	shalt  }
0x71: {  	_ =	shalt  }
0x72: {  	_ =	shalt  }
0x73: {  	_ =	shalt  }
0x74: {  	_ =	shalt  }
0x75: {  	_ =	shalt  }
0x76: {  	_ =	shalt  }
0x77: {  	_ =	shalt  }
0x78: {  	_ =	shalt  }
0x79: {  	_ =	shalt  }
0x7a: {  	_ =	shalt  }
0x7b: {  	_ =	shalt  }
0x7c: {  	_ =	shalt  }
0x7d: {  	_ =	shalt  }
0x7e: {  	_ =	shalt  }
0x7f: {  	_ =	shalt  }
0x80: {  	_ =	shalt  }
0x81: {  	_ =	shalt  }
0x82: {  	_ =	shalt  }
0x83: {  	_ =	shalt  }
0x84: {  	_ =	shalt  }
0x85: {  	_ =	shalt  }
0x86: {  	_ =	shalt  }
0x87: {  	_ =	shalt  }
.Lfunc_end0:
.L_simem_size_0:
called_computation_lowered:
.L_overlay_start_0:
0x88: {  	s2 =	sld [smem:$0x3FD9]  }
0x89: {  	s3 =	sld [smem:$0x3FFE];
	_ =	sdelay $0x1  }
0x8a: {  	s1 =	srdreg.scid  }
0x8b: {  	s0 =	sand.u32 $0x1, s1  }
0x8c: {  	s17 =	sshll.u32 s0, $0xA;
	s2 =	sadd.s32 s3, s2  }
0x8d: {  	s2 =	sadd.s32 s2, s17  }
0x8e: {  	[smem:$0x3FC2] =	sst s2  }
0x8f: {  	_ = 	snop  }
0x90: {  	s2 =	sld [smem:$0x3FD0];
	(tm) =	ssettm $0x1  }
0x91: {  	s18 =	sld [smem:$0x3FFB];
	_ =	sdelay $0x3  }
0x92: {  	_ =	strace s18  }
0x93: {  	s3 =	sld [smem:$0x3FFC];
	_ =	sdelay $0x3  }
0x94: {  	_ =	strace s3  }
0x95: {  	s3 =	sld [smem:$0x3FFD];
	_ =	sdelay $0x3  }
0x96: {  	_ =	strace s3  }
0x97: {  	_ =	strace $0x8FFFFFFF  }
0x98: {  	s19 =	sld [smem:$0x3FDB];
	_ =	sdelay $0x1  }
0x99: {  	s4 =	simm.s32 $_scs_section_size  }
0x9a: {  	s5 =	simm.s32 $_size__tile_overlayer_lowered;
	s6 =	simm.s32 $_tile_overlayer_lowered  }
0x9b: {  	s22 =	simm.s32 $0x1BFF;
	s21 =	sshll.u32 s6, $0x1;
	s3 =	sadd.s32 s4, s19  }
0x9c: {  	s7 =	simm.s32 $0x0;
	s20 =	sshll.u32 s5, $0x1;
	s5 =	sadd.s32 s21, s3  }
0x9d: {  	[timem:s7], [sflag:s22] =	dma.local [hbm:s5], s20  }
0x9e: {  	_ =	swait.ge [sflag:s22], s20  }
0x9f: {  	s4 =	ssub.s32 $0x0, s20;
	[sflag:s22] =	ssyncset.done $0x0  }
0xa0: {  	[sflag:s22] =	ssyncadd.s32 s4;
	_ =	sdelay $0x1  }
0xa1: {  	s23 =	simm.s32 $0x1B8B  }
0xa2: {  	_ =	swait.ge [sflag:s23], $0x1  }
0xa3: {  	[sflag:s23] =	ssyncset.done $0x0  }
0xa4: {  	s25 =	simm.s32 $0x1B8E;
	s24 =	sld [smem:$0x3FFE];
	[sflag:s23] =	ssyncadd.s32 $0xFFFFFFFF  }
0xa5: {  	s26 =	simm.s32 $execute0_lowered;
	[smem:$0x3FD2] =	sst s25  }
0xa6: {  	s5 =	sshll.u32 s26, $0x1;
	_ =	strace $0x80000046;
	[dreg:$0x1] =	wrdreg $0xFFFFFFFF  }
0xa7: {  	s28 =	simm.s32 $_size_execute0_lowered;
	s3 =	sadd.s32 s3, s5;
	[dreg:$0x0] =	wrdreg $0x0  }
0xa8: {  	s5 =	sshll.u32 s28, $0x1;
	[dreg:$0x2] =	wrdreg s3  }
0xa9: {  	[dreg:$0x3] =	wrdreg s5  }
0xaa: {  	[dreg:$0x4] =	wrdreg $0xC0  }
0xab: {  	_ =	task [dreg:s7], $0x5FFFF  }
0xac: {  	[dreg:$0x1] =	wrdreg $0xFFFFFFFF  }
0xad: {  	[dreg:$0x0] =	wrdreg $0x60  }
0xae: {  	[dreg:$0x2] =	wrdreg s24  }
0xaf: {  	[dreg:$0x3] =	wrdreg s2  }
0xb0: {  	[dreg:$0x4] =	wrdreg $0x41000  }
0xb1: {  	[dreg:$0x5] =	wrdreg $0x9  }
0xb2: {  	_ =	task.clear_ibuf [dreg:s7], $0x6FFFF;
	_ =	strace $0x90000046  }
0xb3: {  	s29 =	simm.s32 $0x9;
	_ =	strace $0x80000048  }
0xb4: {  	_ =	swait.ge [sflag:s29], $0x1  }
0xb5: {  	[sflag:s29] =	ssyncadd.s32 $0xFFFFFFFF  }
0xb6: {  	_ =	strace $0x90000048  }
0xb7: {  	_ =	sfence  }
0xb8: {  	s30 =	sld [smem:$0x0];
	_ =	sdelay $0x2  }
0xb9: {  	s31 =	sshll.u32 s1, $0xD;
	s1 =	sshrl.u32 s1, $0x2  }
0xba: {  	s3 =	sand.u32 $0x4000, s31;
	s1 =	sadd.s32 s1, s30  }
0xbb: {  	s0 =	sor.u32 s3, s0;
	s1 =	sshll.u32 s1, $0x11  }
0xbc: {  	s0 =	sor.u32 s1, s0  }
0xbd: {  	s0 =	sadd.s32 $0x8F2B, s0  }
0xbe: {  	[sflag:s0] =	ssyncadd.remote.s32 $0x1  }
0xbf: {  	_ =	sfence.sel $0xFFFF  }
0xc0: {  	[dreg:$0x0] =	wrdreg $0xFFFFFFFF;
	(pc) =	sbr.abs _section_cstart, $3  }
0xc1: {  	[dreg:$0x1] =	wrdreg $0xFFFFFFFF  }
0xc2: {  	_ =	task.clear_ibuf [dreg:s7], $0x2FFFF;
	_ =	strace $0x9FFFFFFF  }
0xc3: {  	(tm) =	ssettm $0x7FFFFFFF  }
tec
execute0_lowered:
.L_overlay_start_1:
0x0: {  	(tag) =	ssettag $0x1  }
0x1: {  	s6 =	rddreg [dreg:$0x0]  }
0x2: {  	s17 =	rddreg [dreg:$0x1]  }
0x3: {  	s1 =	rddreg [dreg:$0x2]  }
0x4: {  	s0 =	rddreg [dreg:$0x3];
	s2 =	simm.s32 $0x0  }
0x5: {  	s5 =	srdreg.scid;
	s3 =	stileid.u32;
	s22 =	simm.s32 $0x1  }
0x6: {  	s23 =	simm.s32 $0x0;
	[smem:$0x7FF] =	sst s2;
	s4 =	sadd.s32 $0xCC00, s6  }
0x7: {  	s8 =	sand.u32 $0x1, s5;
	s5 =	sadd.s32 $0x2C00, s6;
	s9 =	smul.u32 $0x50000, s3  }
0x8: {  	s6 =	sadd.s32 $0x16C00, s6;
	s11 =	smul.u32 $0x14000, s3;
	_ =	strace $0x80000047  }
0x9: {  	s7 =	ssub.s32 $0x2, s8;
	s31 =	sshll.u32 s8, $0x4;
	s19 =	smul.u32 $0x140000, s8  }
0xa: {  	s10 =	sshrl.u32 s7, $0x1;
	s9 =	sshrl.u32 s9, $0x2;
	s12 =	sor.u32 s3, s31  }
0xb: {  	s13 =	sadd.s32 $0x4000, s11;
	s15 =	sadd.s32 $0x8000, s11;
	s16 =	sadd.s32 $0xC000, s11  }
0xc: {  	s20 =	sadd.s32 $0x10000, s11;
	s18 =	ssub.s32 s7, s10;
	s7 =	sadd.s32 s9, s1  }
0xd: {  	s8 =	sadd.s32 s13, s1;
	s9 =	sadd.s32 s15, s1;
	s10 =	sadd.s32 s16, s1  }
0xe: {  	s14 =	sadd.s32 s11, s19;
	s13 =	sadd.s32 s19, s13;
	s11 =	sadd.s32 s20, s1  }
0xf: {  	s12 =	smul.u32 $0x2800, s12;
	s15 =	sadd.s32 s19, s15;
	s16 =	sadd.s32 s19, s16  }
0x10: {  	s19 =	sadd.s32 s19, s20;
	s20 =	simm.s32 $0x2;
	s14 =	sshrl.u32 s14, $0x3  }
0x11: {  	s21 =	sshrl.u32 s13, $0x3;
	s15 =	sshrl.u32 s15, $0x3;
	s16 =	sshrl.u32 s16, $0x3  }
0x12: {  	s19 =	sshrl.u32 s19, $0x3;
	s18 =	smax.u32 s18, $0x1;
	s13 =	sadd.s32 s17, s14  }
0x13: {  	s14 =	sadd.s32 s17, s21;
	s15 =	sadd.s32 s17, s15;
	s16 =	sadd.s32 s17, s16  }
0x14: {  	v0 =	vimm.f32 $0.0e+00;
	s17 =	sadd.s32 s17, s19;
	s19 =	simm.s32 $0x100;
	s21 =	simm.s32 $0x80  }
.LBB2_1:
0x15: {  	s24 =	simm.s32 $0x0;
	s25 =	simm.s32 $0x200  }
.LBB2_2:
0x16: {  	p0 =	sne.s32 s25, $0xFE00;
	[tilespmem:s24+$0x170] =	vst v0  }
0x17: {  	[tilespmem:s24+$0x100] =	vst v0  }
0x18: {  	[tilespmem:s24+$0x110] =	vst v0  }
.Ltmp0:
0x19: {  	[tilespmem:s24+$0x120] =	vst v0;
	(pc) =	sbr.rel @p0 .LBB2_2-.Ltmp0, $4  }
0x1a: {  	[tilespmem:s24+$0x130] =	vst v0  }
0x1b: {  	[tilespmem:s24+$0x140] =	vst v0  }
0x1c: {  	[tilespmem:s24+$0x150] =	vst v0  }
0x1d: {  	[tilespmem:s24+$0x160] =	vst v0;
	s24 =	sshra.s32 s25, $0x2;
	s25 =	sadd.s32 $0x200, s25  }
0x1e: {  	[tilespmem:s24+$0x170] =	vst v0  }
0x1f: {  	[tilespmem:s24+$0x100] =	vst v0  }
0x20: {  	[tilespmem:s24+$0x110] =	vst v0  }
0x21: {  	[tilespmem:s24+$0x120] =	vst v0  }
0x22: {  	[tilespmem:s24+$0x130] =	vst v0  }
0x23: {  	[tilespmem:s24+$0x140] =	vst v0  }
0x24: {  	[tilespmem:s24+$0x150] =	vst v0  }
0x25: {  	[tilespmem:s24+$0x160] =	vst v0  }
0x26: {  	[spmem:s7] =	stream.linear.scatter [tilespmem:s19], [sflag:$0x2], $0x4000, $0x38;
	[tilespmem:$0x18100] =	vst v63  }
0x27: {  	_ =	swait.ge [sflag:s20], $0x4000  }
0x28: {  	[sflag:s20] =	ssyncset.done $0x0  }
0x29: {  	[sflag:s20] =	ssyncadd.s32 $0xFFFFC000  }
0x2a: {  	[spmem:s8] =	stream.linear.scatter [tilespmem:s19], [sflag:$0x2], $0x4000, $0x38;
	[tilespmem:$0x18100] =	vst v63  }
0x2b: {  	_ =	swait.ge [sflag:s20], $0x4000  }
0x2c: {  	[sflag:s20] =	ssyncset.done $0x0  }
0x2d: {  	[sflag:s20] =	ssyncadd.s32 $0xFFFFC000  }
0x2e: {  	[spmem:s9] =	stream.linear.scatter [tilespmem:s19], [sflag:$0x2], $0x4000, $0x38;
	[tilespmem:$0x18100] =	vst v63  }
0x2f: {  	_ =	swait.ge [sflag:s20], $0x4000  }
0x30: {  	[sflag:s20] =	ssyncset.done $0x0  }
0x31: {  	[sflag:s20] =	ssyncadd.s32 $0xFFFFC000  }
0x32: {  	[spmem:s10] =	stream.linear.scatter [tilespmem:s19], [sflag:$0x2], $0x4000, $0x38;
	[tilespmem:$0x18100] =	vst v63  }
0x33: {  	_ =	swait.ge [sflag:s20], $0x4000  }
0x34: {  	s28 =	simm.s32 $0x0;
	[sflag:s20] =	ssyncset.done $0x0  }
0x35: {  	s25 =	sand.u32 $0x3C00, s28;
	[sflag:s20] =	ssyncadd.s32 $0xFFFFC000  }
0x36: {  	[spmem:s11] =	stream.linear.scatter [tilespmem:s19], [sflag:$0x2], $0x4000, $0x38;
	[tilespmem:$0x18100] =	vst v63  }
0x37: {  	s24 =	sand.u32 $0x380, s28;
	s25 =	sadd.s32 s12, s25;
	_ =	swait.ge [sflag:s20], $0x4000  }
0x38: {  	s24 =	sor.u32 s24, s25;
	[sflag:s20] =	ssyncset.done $0x0  }
0x39: {  	s24 =	sshrl.u32 s24, $0x3;
	[sflag:s20] =	ssyncadd.s32 $0xFFFFC000  }
0x3a: {  	s29 =	sadd.s32 s4, s24;
	[bflag:$0x0] =	sbarrier.arrive $0xFFFF  }
0x3b: {  	[tilespmem:s2], [sflag:$0x2] =	stream.linear.gather [hbm4b:s29+s2], $0x80, $0x38;
	[tilespmem:$0x18100] =	vst v63  }
0x3c: {  	_ =	swait.ge [sflag:s20], $0x80  }
0x3d: {  	[sflag:s20] =	ssyncset.done $0x0  }
0x3e: {  	s24 =	sadd.s32 s5, s24;
	[sflag:s20] =	ssyncadd.s32 $0xFFFFFF80  }
0x3f: {  	[tilespmem:s21], [sflag:$0x2] =	stream.linear.gather [hbm4b:s24+s2], $0x80, $0x38;
	[tilespmem:$0x18100] =	vst v63  }
0x40: {  	_ =	swait.ge [sflag:s20], $0x80  }
0x41: {  	[sflag:s20] =	ssyncset.done $0x0  }
0x42: {  	[sflag:s20] =	ssyncadd.s32 $0xFFFFFF80  }
0x43: {  	[tilespmem:s19], [sflag:$0x1] =	stream.indirect.gather [hbm4b:s6+s21], $0x80, s2, s21, $0xb8;
	[tilespmem:$0x18100] =	vst v63  }
0x44: {  	_ =	swait.ge [sflag:s22], $0x4000  }
0x45: {  	s30 =	simm.s32 $0x80;
	[sflag:s22] =	ssyncset.done $0x0  }
0x46: {  	s31 =	sand.u32 $0x3C00, s30;
	[sflag:s22] =	ssyncadd.s32 $0xFFFFC000  }
0x47: {  	[spmem:s1] =	stream.indirect.scatter.add.f32 [tilespmem:s19], [sflag:$0x2], $0x80, s21, s21, $0xb8;
	[tilespmem:$0x18100] =	vst v63  }
0x48: {  	s26 =	sand.u32 $0x380, s30;
	s25 =	sadd.s32 s12, s31;
	_ =	swait.ge [sflag:s20], $0x4000  }
0x49: {  	s25 =	sor.u32 s26, s25;
	s24 =	simm.s32 $0x100;
	[sflag:s20] =	ssyncset.done $0x0  }
.LBB2_4:
0x4a: {  	s25 =	sshrl.u32 s25, $0x3  }
0x4b: {  	[sflag:s20] =	ssyncadd.s32 $0xFFFFC000;
	s26 =	smov.u32 s24;
	s28 =	sadd.s32 $0x80, s24  }
0x4c: {  	p0 =	sne.s32 s24, $0x2700;
	s24 =	sadd.s32 s4, s25  }
0x4d: {  	[tilespmem:s2], [sflag:$0x2] =	stream.linear.gather [hbm4b:s24+s2], $0x80, $0x38;
	[tilespmem:$0x18100] =	vst v63  }
0x4e: {  	_ =	swait.ge [sflag:s20], $0x80  }
0x4f: {  	[sflag:s20] =	ssyncset.done $0x0  }
0x50: {  	s24 =	sadd.s32 s5, s25;
	[sflag:s20] =	ssyncadd.s32 $0xFFFFFF80  }
0x51: {  	[tilespmem:s21], [sflag:$0x2] =	stream.linear.gather [hbm4b:s24+s2], $0x80, $0x38;
	[tilespmem:$0x18100] =	vst v63  }
0x52: {  	_ =	swait.ge [sflag:s20], $0x80  }
0x53: {  	[sflag:s20] =	ssyncset.done $0x0  }
0x54: {  	[sflag:s20] =	ssyncadd.s32 $0xFFFFFF80  }
0x55: {  	[tilespmem:s19], [sflag:$0x1] =	stream.indirect.gather [hbm4b:s6+s21], $0x80, s2, s21, $0xb8;
	[tilespmem:$0x18100] =	vst v63  }
0x56: {  	_ =	swait.ge [sflag:s22], $0x4000  }
.Ltmp1:
0x57: {  	[sflag:s22] =	ssyncset.done $0x0;
	(pc) =	sbr.rel @p0 .LBB2_4-.Ltmp1, $4  }
0x58: {  	s24 =	sand.u32 $0x3C00, s26;
	[sflag:s22] =	ssyncadd.s32 $0xFFFFC000  }
0x59: {  	[spmem:s1] =	stream.indirect.scatter.add.f32 [tilespmem:s19], [sflag:$0x2], $0x80, s21, s21, $0xb8;
	[tilespmem:$0x18100] =	vst v63  }
0x5a: {  	s25 =	sand.u32 $0x380, s26;
	s24 =	sadd.s32 s12, s24;
	_ =	swait.ge [sflag:s20], $0x4000  }
0x5b: {  	s25 =	sor.u32 s25, s24;
	s24 =	smov.u32 s28;
	[sflag:s20] =	ssyncset.done $0x0  }
0x5c: {  	s24 =	sshrl.u32 s25, $0x3  }
0x5d: {  	[sflag:s20] =	ssyncadd.s32 $0xFFFFC000;
	s25 =	sadd.s32 s4, s24  }
0x5e: {  	[tilespmem:s2], [sflag:$0x2] =	stream.linear.gather [hbm4b:s25+s2], $0x80, $0x38;
	[tilespmem:$0x18100] =	vst v63  }
0x5f: {  	_ =	swait.ge [sflag:s20], $0x80  }
0x60: {  	[sflag:s20] =	ssyncset.done $0x0  }
0x61: {  	s24 =	sadd.s32 s5, s24;
	[sflag:s20] =	ssyncadd.s32 $0xFFFFFF80  }
0x62: {  	[tilespmem:s21], [sflag:$0x2] =	stream.linear.gather [hbm4b:s24+s2], $0x80, $0x38;
	[tilespmem:$0x18100] =	vst v63  }
0x63: {  	_ =	swait.ge [sflag:s20], $0x80  }
0x64: {  	[sflag:s20] =	ssyncset.done $0x0  }
0x65: {  	[sflag:s20] =	ssyncadd.s32 $0xFFFFFF80  }
0x66: {  	[tilespmem:s19], [sflag:$0x1] =	stream.indirect.gather [hbm4b:s6+s21], $0x80, s2, s21, $0xb8;
	[tilespmem:$0x18100] =	vst v63  }
0x67: {  	_ =	swait.ge [sflag:s22], $0x4000  }
0x68: {  	[sflag:s22] =	ssyncset.done $0x0  }
0x69: {  	[sflag:s22] =	ssyncadd.s32 $0xFFFFC000  }
0x6a: {  	[spmem:s1] =	stream.indirect.scatter.add.f32 [tilespmem:s19], [sflag:$0x2], $0x80, s21, s21, $0xb8;
	[tilespmem:$0x18100] =	vst v63  }
0x6b: {  	_ =	swait.ge [sflag:s20], $0x4000  }
0x6c: {  	[sflag:s20] =	ssyncset.done $0x0  }
0x6d: {  	[sflag:s20] =	ssyncadd.s32 $0xFFFFC000  }
0x6e: {  	[bflag:$0x0] =	sbarrier.arrive $0xFFFF  }
0x6f: {  	[tilespmem:s19], [sflag:$0x2] =	stream.linear.gather [spmem:s7], $0x4000, $0x38;
	[tilespmem:$0x18100] =	vst v63  }
0x70: {  	_ =	swait.ge [sflag:s20], $0x4000  }
0x71: {  	[sflag:s20] =	ssyncset.done $0x0  }
0x72: {  	[sflag:s20] =	ssyncadd.s32 $0xFFFFC000  }
0x73: {  	[hbm4b:s13+s2] =	stream.linear.scatter [tilespmem:s19], [sflag:$0x2], $0x4000, $0x38;
	[tilespmem:$0x18100] =	vst v63  }
0x74: {  	_ =	swait.ge [sflag:s20], $0x4000  }
0x75: {  	[sflag:s20] =	ssyncset.done $0x0  }
0x76: {  	[sflag:s20] =	ssyncadd.s32 $0xFFFFC000  }
0x77: {  	[tilespmem:s19], [sflag:$0x2] =	stream.linear.gather [spmem:s8], $0x4000, $0x38;
	[tilespmem:$0x18100] =	vst v63  }
0x78: {  	_ =	swait.ge [sflag:s20], $0x4000  }
0x79: {  	[sflag:s20] =	ssyncset.done $0x0  }
0x7a: {  	[sflag:s20] =	ssyncadd.s32 $0xFFFFC000  }
0x7b: {  	[hbm4b:s14+s2] =	stream.linear.scatter [tilespmem:s19], [sflag:$0x2], $0x4000, $0x38;
	[tilespmem:$0x18100] =	vst v63  }
0x7c: {  	_ =	swait.ge [sflag:s20], $0x4000  }
0x7d: {  	[sflag:s20] =	ssyncset.done $0x0  }
0x7e: {  	[sflag:s20] =	ssyncadd.s32 $0xFFFFC000  }
0x7f: {  	[tilespmem:s19], [sflag:$0x2] =	stream.linear.gather [spmem:s9], $0x4000, $0x38;
	[tilespmem:$0x18100] =	vst v63  }
0x80: {  	_ =	swait.ge [sflag:s20], $0x4000  }
0x81: {  	[sflag:s20] =	ssyncset.done $0x0  }
0x82: {  	[sflag:s20] =	ssyncadd.s32 $0xFFFFC000  }
0x83: {  	[hbm4b:s15+s2] =	stream.linear.scatter [tilespmem:s19], [sflag:$0x2], $0x4000, $0x38;
	[tilespmem:$0x18100] =	vst v63  }
0x84: {  	_ =	swait.ge [sflag:s20], $0x4000  }
0x85: {  	[sflag:s20] =	ssyncset.done $0x0  }
0x86: {  	[sflag:s20] =	ssyncadd.s32 $0xFFFFC000  }
0x87: {  	[tilespmem:s19], [sflag:$0x2] =	stream.linear.gather [spmem:s10], $0x4000, $0x38;
	[tilespmem:$0x18100] =	vst v63  }
0x88: {  	_ =	swait.ge [sflag:s20], $0x4000  }
0x89: {  	[sflag:s20] =	ssyncset.done $0x0  }
0x8a: {  	[sflag:s20] =	ssyncadd.s32 $0xFFFFC000  }
0x8b: {  	[hbm4b:s16+s2] =	stream.linear.scatter [tilespmem:s19], [sflag:$0x2], $0x4000, $0x38;
	[tilespmem:$0x18100] =	vst v63  }
0x8c: {  	_ =	swait.ge [sflag:s20], $0x4000  }
0x8d: {  	[sflag:s20] =	ssyncset.done $0x0  }
0x8e: {  	[sflag:s20] =	ssyncadd.s32 $0xFFFFC000  }
0x8f: {  	[tilespmem:s19], [sflag:$0x2] =	stream.linear.gather [spmem:s11], $0x4000, $0x38;
	[tilespmem:$0x18100] =	vst v63  }
0x90: {  	s23 =	sadd.s32 $0x1, s23;
	_ =	swait.ge [sflag:s20], $0x4000  }
0x91: {  	p0 =	sne.s32 s23, s18;
	[sflag:s20] =	ssyncset.done $0x0  }
.Ltmp2:
0x92: {  	[sflag:s20] =	ssyncadd.s32 $0xFFFFC000;
	(pc) =	sbr.rel @p0 .LBB2_1-.Ltmp2, $4  }
0x93: {  	[hbm4b:s17+s2] =	stream.linear.scatter [tilespmem:s19], [sflag:$0x2], $0x4000, $0x38;
	[tilespmem:$0x18100] =	vst v63  }
0x94: {  	_ =	swait.ge [sflag:s20], $0x4000  }
0x95: {  	[sflag:s20] =	ssyncset.done $0x0  }
0x96: {  	[sflag:s20] =	ssyncadd.s32 $0xFFFFC000  }
0x97: {  	_ =	sfence.sel $0x180000  }
0x98: {  	[bflag:$0x0] =	sbarrier.arrive $0xFFFF  }
0x99: {  	p0 =	sne.s32 s3, $0x0;
	_ =	strace $0x90000047  }
0x9a: {  	s0 =	sadd.s32 @!p0 $0x100000, s0;
	[bflag:$0x2] =	sbarrier.arrive $0xFFFF  }
0x9b: {  	[sflag:s0] =	ssyncadd.tile.s32 @!p0 $0x1;
	_ =	shalt  }
.Lfunc_end2:
_tile_overlayer_lowered:
.L_overlay_start_2:
0x9c: {  	(tag) =	ssettag $0x2  }
0x9d: {  	s0 =	rddreg [dreg:$0x0];
	s2 =	stileid.u32  }
0x9e: {  	s1 =	rddreg [dreg:$0x1];
	p0 =	sne.s32 s2, $0x0  }
0x9f: {  	s3 =	rddreg [dreg:$0x2];
	[bflag:$0x3] =	sbarrier.arrive $0xFFFF;
	s2 =	simm.s32 @!p0 $0x1C02  }
0xa0: {  	[timem:s3], [sflag:s2] =	dma.local @!p0 [hbm:s0], s1  }
0xa1: {  	s0 =	simm.s32 @!p0 $0x2  }
0xa2: {  	_ =	swait.ge @!p0 [sflag:s0], s1  }
0xa3: {  	s1 =	ssub.s32 @!p0 $0x0, s1;
	[sflag:s0] =	ssyncset.done @!p0 $0x0  }
0xa4: {  	[sflag:s0] =	ssyncadd.s32 @!p0 s1  }
0xa5: {  	[bflag:$0x3] =	sbarrier.arrive $0xFFFF  }
0xa6: {  	_ =	shalt  }

</sc_bundles>
